<compile_context>
chip_gen: v7x
topology: tpu7x:2x2x1
jax: 0.10.2.dev20260603
libtpu: 0.0.44.dev20260713+nightly
codegen_flags: <defaults>
</compile_context>

<pallas_src>
import functools

import numpy as np
import jax
import jax.numpy as jnp
from jax import lax
from jax.experimental import pallas as pl
from jax.experimental.pallas import tpu as pltpu
from jax.experimental.pallas import tpu_sc as plsc

B, N = 2, 2048
D_IN, D = 128, 256
H, DH = 4, 64
GX, GY, GT = 128, 128, 200
TOT = GX * GY * GT
NJ = 27
NJP = 32
BN = B * N

_offs = np.array(
    [[dx, dy, dt] for dx in (-1, 0, 1) for dy in (-1, 0, 1) for dt in (-1, 0, 1)],
    dtype=np.int32,
)
_OFFS_T = np.full((3, NJ), 512, np.int32)
_OFFS_T[:, :27] = _offs.T
_OFFS_F8 = np.zeros((NJP, 8), np.float32)
_OFFS_F8[:27, :3] = _offs.astype(np.float32)

PBLK = 256
CBLK = 64


def _ka_body(offs_t_ref, offs_f8_ref, feat_ref, coords_ref, Wf_ref, bf_ref,
             Wq_ref, bq_ref, Wp1_ref, bp1_ref, Wp2_ref, bp2_ref, Wk_ref,
             bk_ref, Wv_ref, bv_ref, fp_ref, q_ref, nlin_ref, kpe_ref,
             vpe_ref):
    feat = feat_ref[0]
    fp = jnp.dot(feat, Wf_ref[...], preferred_element_type=jnp.float32) + bf_ref[...]
    fp_ref[0] = fp
    q_ref[0] = jnp.dot(fp, Wq_ref[...], preferred_element_type=jnp.float32) + bq_ref[...]

    c = coords_ref[0]
    v0 = (jnp.clip(c[:, 0:1] / 256.0, 0.0, 1.0) * (GX - 1.0)).astype(jnp.int32)
    v1 = (jnp.clip(c[:, 1:2] / 256.0, 0.0, 1.0) * (GY - 1.0)).astype(jnp.int32)
    v2 = (jnp.clip(c[:, 2:3], 0.0, 1.0) * (GT - 1.0)).astype(jnp.int32)
    offs_t = offs_t_ref[...]
    nv0 = v0 + offs_t[0:1, :]
    nv1 = v1 + offs_t[1:2, :]
    nv2 = v2 + offs_t[2:3, :]
    inb = ((nv0 >= 0) & (nv0 < GX) & (nv1 >= 0) & (nv1 < GY)
           & (nv2 >= 0) & (nv2 < GT))
    nlin = nv0 * (GY * GT) + nv1 * GT + nv2
    nlin_ref[0] = jnp.where(inb, nlin, -1)

    @pl.when((pl.program_id(0) == 0) & (pl.program_id(1) == 0))
    def _():
        ph = jnp.dot(offs_f8_ref[...], Wp1_ref[...],
                     preferred_element_type=jnp.float32) + bp1_ref[...]
        pe = jnp.dot(jnp.maximum(ph, 0.0), Wp2_ref[...],
                     preferred_element_type=jnp.float32) + bp2_ref[...]
        kpe_ref[...] = jnp.dot(pe, Wk_ref[...],
                               preferred_element_type=jnp.float32) + bk_ref[...]
        vpe_ref[...] = jnp.dot(pe, Wv_ref[...],
                               preferred_element_type=jnp.float32) + bv_ref[...]


def _stage_a(feat, coords, Wf, bf, Wq, bq, Wp1_8, bp1, Wp2, bp2, Wk, bk, Wv,
             bv, interpret=False):
    full = lambda shp: pl.BlockSpec(shp, lambda b, i: (0,) * len(shp))
    grid = (B, N // PBLK)
    return pl.pallas_call(
        _ka_body,
        grid=grid,
        in_specs=[
            full((3, NJ)), full((NJP, 8)),
            pl.BlockSpec((1, PBLK, D_IN), lambda b, i: (b, i, 0)),
            pl.BlockSpec((1, PBLK, 3), lambda b, i: (b, i, 0)),
            full((D_IN, D)), full((1, D)), full((D, D)), full((1, D)),
            full((8, D // 2)), full((1, D // 2)), full((D // 2, D)),
            full((1, D)), full((D, D)), full((1, D)), full((D, D)),
            full((1, D)),
        ],
        out_specs=[
            pl.BlockSpec((1, PBLK, D), lambda b, i: (b, i, 0)),
            pl.BlockSpec((1, PBLK, D), lambda b, i: (b, i, 0)),
            pl.BlockSpec((1, PBLK, NJ), lambda b, i: (b, i, 0)),
            full((NJP, D)), full((NJP, D)),
        ],
        out_shape=[
            jax.ShapeDtypeStruct((B, N, D), jnp.float32),
            jax.ShapeDtypeStruct((B, N, D), jnp.float32),
            jax.ShapeDtypeStruct((B, N, NJ), jnp.int32),
            jax.ShapeDtypeStruct((NJP, D), jnp.float32),
            jax.ShapeDtypeStruct((NJP, D), jnp.float32),
        ],
        interpret=interpret,
    )(jnp.asarray(_OFFS_T), jnp.asarray(_OFFS_F8), feat, coords, Wf, bf, Wq,
      bq, Wp1_8, bp1, Wp2, bp2, Wk, bk, Wv, bv)


def _mesh():
    return plsc.VectorSubcoreMesh(core_axis_name="c", subcore_axis_name="s")


def _s1a_body(lin_hbm, tbl_hbm, idx_v, val_v, sem):
    c = lax.axis_index("c")
    s = lax.axis_index("s")
    wid = s * 2 + c
    gbase = wid * (BN // 32)
    b = gbase // N
    pltpu.sync_copy(lin_hbm.at[pl.ds(gbase, 128)], idx_v)

    def it(i, _):
        sl = pl.ds(i * 16, 16)
        idx_v[sl] = idx_v[sl] + b * TOT
        val_v[sl] = (gbase - b * N) + i * 16 + lax.iota(jnp.int32, 16)
        return 0

    lax.fori_loop(0, 8, it, 0)
    pltpu.async_copy(val_v, tbl_hbm.at[idx_v], sem).wait()


def _stage_s1a(lin_flat):
    return pl.kernel(
        _s1a_body,
        out_type=jax.ShapeDtypeStruct((B * TOT,), jnp.int32),
        mesh=_mesh(),
        scratch_types=[
            pltpu.VMEM((128,), jnp.int32),
            pltpu.VMEM((128,), jnp.int32),
            pltpu.SemaphoreType.DMA,
        ],
    )(lin_flat)


def _s1b_body(lin_hbm, tbl_hbm, rep_hbm, idx_v, rep_v, repf_v, sem):
    c = lax.axis_index("c")
    s = lax.axis_index("s")
    wid = s * 2 + c
    gbase = wid * (BN // 32)
    b = gbase // N
    pltpu.sync_copy(lin_hbm.at[pl.ds(gbase, 128)], idx_v)

    def it(i, _):
        sl = pl.ds(i * 16, 16)
        idx_v[sl] = idx_v[sl] + b * TOT
        return 0

    lax.fori_loop(0, 8, it, 0)
    pltpu.async_copy(tbl_hbm.at[idx_v], rep_v, sem).wait()

    def cv(i, _):
        sl = pl.ds(i * 16, 16)
        repf_v[sl] = rep_v[sl].astype(jnp.float32)
        return 0

    lax.fori_loop(0, 8, cv, 0)
    pltpu.sync_copy(repf_v, rep_hbm.at[pl.ds(gbase, 128)])


def _stage_s1b(lin_flat, tbl):
    return pl.kernel(
        _s1b_body,
        out_type=jax.ShapeDtypeStruct((BN,), jnp.float32),
        mesh=_mesh(),
        scratch_types=[
            pltpu.VMEM((128,), jnp.int32),
            pltpu.VMEM((128,), jnp.int32),
            pltpu.VMEM((128,), jnp.float32),
            pltpu.SemaphoreType.DMA,
        ],
    )(lin_flat, tbl)


def _kseg_body(rep_ref, fp_ref, sums_ref, cnt_ref):
    r = pl.program_id(1)
    rep = rep_ref[0]
    fp = fp_ref[0]
    riota = (lax.broadcasted_iota(jnp.int32, (1, PBLK), 1)
             + r * PBLK).astype(jnp.float32)
    acc = jnp.zeros((PBLK, D), jnp.float32)
    cacc = jnp.zeros((PBLK, 1), jnp.float32)
    ones = jnp.ones((PBLK, 1), jnp.float32)
    for nb in range(N // PBLK):
        selT = jnp.where(rep[nb * PBLK:(nb + 1) * PBLK] == riota, 1.0, 0.0)
        acc = acc + lax.dot_general(
            selT, fp[nb * PBLK:(nb + 1) * PBLK],
            (((0,), (0,)), ((), ())), preferred_element_type=jnp.float32)
        cacc = cacc + lax.dot_general(
            selT, ones, (((0,), (0,)), ((), ())),
            preferred_element_type=jnp.float32)
    sums_ref[0] = acc
    cnt_ref[0] = cacc


def _stage_seg(rep, fp, interpret=False):
    return pl.pallas_call(
        _kseg_body,
        grid=(B, N // PBLK),
        in_specs=[
            pl.BlockSpec((1, N, 1), lambda b, r: (b, 0, 0)),
            pl.BlockSpec((1, N, D), lambda b, r: (b, 0, 0)),
        ],
        out_specs=[
            pl.BlockSpec((1, PBLK, D), lambda b, r: (b, r, 0)),
            pl.BlockSpec((1, PBLK, 1), lambda b, r: (b, r, 0)),
        ],
        out_shape=[
            jax.ShapeDtypeStruct((B, N, D), jnp.float32),
            jax.ShapeDtypeStruct((B, N, 1), jnp.float32),
        ],
        interpret=interpret,
    )(rep, fp)


def _kb_body(sums_ref, cnt_ref, Wia_ref, bia_ref, Wk_ref, Wv_ref, kv_ref):
    cnt = cnt_ref[0]
    means = sums_ref[0] / jnp.maximum(cnt, 1.0)
    vf = jnp.maximum(
        jnp.dot(means, Wia_ref[...], preferred_element_type=jnp.float32)
        + bia_ref[...], 0.0)
    kvf = jnp.dot(vf, Wk_ref[...], preferred_element_type=jnp.float32)
    vvf = jnp.dot(vf, Wv_ref[...], preferred_element_type=jnp.float32)
    kb = lax.bitcast_convert_type(kvf.astype(jnp.bfloat16), jnp.uint16)
    vb = lax.bitcast_convert_type(vvf.astype(jnp.bfloat16), jnp.uint16)
    w = (kb.astype(jnp.uint32) << 16) | vb.astype(jnp.uint32)
    kv_ref[0] = lax.bitcast_convert_type(w, jnp.int32)


def _stage_b(sums, cnt, Wia, bia, Wk, Wv, interpret=False):
    full = lambda shp: pl.BlockSpec(shp, lambda b, i: (0,) * len(shp))
    return pl.pallas_call(
        _kb_body,
        grid=(B, N // PBLK),
        in_specs=[
            pl.BlockSpec((1, PBLK, D), lambda b, i: (b, i, 0)),
            pl.BlockSpec((1, PBLK, 1), lambda b, i: (b, i, 0)),
            full((D, D)), full((1, D)), full((D, D)), full((D, D)),
        ],
        out_specs=[
            pl.BlockSpec((1, PBLK, D), lambda b, i: (b, i, 0)),
        ],
        out_shape=[
            jax.ShapeDtypeStruct((B, N, D), jnp.int32),
        ],
        interpret=interpret,
    )(sums, cnt, Wia, bia, Wk, Wv)[0]


def _s2_body(nlin_hbm, lin_hbm, tbl_hbm, kv_hbm, kvrows_hbm, found_hbm,
             nl_v, gi_v, g_v, gc_v, lv_v, ri_v, fd_v, kv_v, sem):
    c = lax.axis_index("c")
    s = lax.axis_index("s")
    wid = s * 2 + c
    gbase = wid * (BN // 32)
    b = gbase // N

    def chunk(ch, _):
        rb = gbase * NJ + ch * 128
        pltpu.sync_copy(nlin_hbm.at[pl.ds(rb, 128)], nl_v)

        def lane(i, _):
            sl = pl.ds(i * 16, 16)
            gi_v[sl] = jnp.maximum(nl_v[sl], 0) + b * TOT
            return 0

        lax.fori_loop(0, 8, lane, 0)
        pltpu.async_copy(tbl_hbm.at[gi_v], g_v, sem).wait()

        def lane2(i, _):
            sl = pl.ds(i * 16, 16)
            gc_v[sl] = jnp.clip(g_v[sl], 0, N - 1) + b * N
            return 0

        lax.fori_loop(0, 8, lane2, 0)
        pltpu.async_copy(lin_hbm.at[gc_v], lv_v, sem).wait()

        def lane3(i, _):
            sl = pl.ds(i * 16, 16)
            nl = nl_v[sl]
            fnd = (nl >= 0) & (lv_v[sl] == nl)
            ri_v[sl] = jnp.where(fnd, gc_v[sl], b * N)
            fd_v[sl] = jnp.where(fnd, 1, 0)
            return 0

        lax.fori_loop(0, 8, lane3, 0)
        pltpu.async_copy(kv_hbm.at[ri_v], kv_v, sem).wait()
        pltpu.sync_copy(kv_v, kvrows_hbm.at[pl.ds(rb, 128)])
        pltpu.sync_copy(fd_v, found_hbm.at[pl.ds(rb, 128)])
        return 0

    lax.fori_loop(0, (BN // 32) * NJ // 128, chunk, 0)


def _stage_s2(nlin_flat, lin_flat, tbl, kv3):
    return pl.kernel(
        _s2_body,
        out_type=(
            jax.ShapeDtypeStruct((BN * NJ, 2, 128), jnp.int32),
            jax.ShapeDtypeStruct((BN * NJ,), jnp.int32),
        ),
        mesh=_mesh(),
        scratch_types=[
            pltpu.VMEM((128,), jnp.int32),
            pltpu.VMEM((128,), jnp.int32),
            pltpu.VMEM((128,), jnp.int32),
            pltpu.VMEM((128,), jnp.int32),
            pltpu.VMEM((128,), jnp.int32),
            pltpu.VMEM((128,), jnp.int32),
            pltpu.VMEM((128,), jnp.int32),
            pltpu.VMEM((128, 2, 128), jnp.int32),
            pltpu.SemaphoreType.DMA,
        ],
    )(nlin_flat, lin_flat, tbl, kv3)


def _kc_body(q_ref, fp_ref, kvrows_ref, found_ref, kpe_ref,
             vpe_ref, Wo_ref, bo_ref, gamma_ref, beta_ref, out_ref):
    R = CBLK * NJ
    f32 = jnp.float32
    r_i = lax.broadcasted_iota(jnp.int32, (R, 1), 0)
    grp = jnp.where(r_i // NJ == lax.broadcasted_iota(jnp.int32, (1, CBLK), 1),
                    1.0, 0.0)
    tile = jnp.where(r_i % NJ == lax.broadcasted_iota(jnp.int32, (1, NJP), 1),
                     1.0, 0.0)
    hm = jnp.where(
        lax.broadcasted_iota(jnp.int32, (D, 1), 0) // DH
        == lax.broadcasted_iota(jnp.int32, (1, H), 1), 1.0, 0.0)
    hm_t = jnp.where(
        lax.broadcasted_iota(jnp.int32, (H, 1), 0)
        == lax.broadcasted_iota(jnp.int32, (1, D), 1) // DH, 1.0, 0.0)
    mm = functools.partial(jnp.dot, preferred_element_type=f32)
    ct0 = lambda a, b: lax.dot_general(a, b, (((0,), (0,)), ((), ())),
                                       preferred_element_type=f32)
    wu = lax.bitcast_convert_type(kvrows_ref[0], jnp.uint32)
    kbf = lax.bitcast_convert_type((wu >> 16).astype(jnp.uint16), jnp.bfloat16)
    vbf = lax.bitcast_convert_type((wu & 0xFFFF).astype(jnp.uint16), jnp.bfloat16)
    krow = kbf.astype(f32) + mm(tile, kpe_ref[...])
    vrow = vbf.astype(f32) + mm(tile, vpe_ref[...])
    qe = mm(grp, q_ref[0])
    logits = mm(qe * krow, hm) * (1.0 / 8.0)
    fnd = found_ref[0]
    e = jnp.exp(jnp.where(fnd > 0, logits, -1e9))
    denom = mm(grp, ct0(grp, e))
    a_bc = mm(e / denom, hm_t)
    ctx = ct0(grp, a_bc * vrow)
    out = mm(ctx, Wo_ref[...]) + bo_ref[...]
    enh = fp_ref[0] + out
    mu = jnp.mean(enh, axis=-1, keepdims=True)
    var = jnp.mean((enh - mu) ** 2, axis=-1, keepdims=True)
    out_ref[0] = ((enh - mu) * lax.rsqrt(var + 1e-5) * gamma_ref[...]
                  + beta_ref[...])


def _stage_c(q, fp, kvrows, found, kpe, vpe, Wo, bo, gamma, beta,
             interpret=False):
    full = lambda shp: pl.BlockSpec(shp, lambda b, i: (0,) * len(shp))
    return pl.pallas_call(
        _kc_body,
        grid=(B, N // CBLK),
        in_specs=[
            pl.BlockSpec((1, CBLK, D), lambda b, i: (b, i, 0)),
            pl.BlockSpec((1, CBLK, D), lambda b, i: (b, i, 0)),
            pl.BlockSpec((1, CBLK * NJ, D), lambda b, i: (b, i, 0)),
            pl.BlockSpec((1, CBLK * NJ, 1), lambda b, i: (b, i, 0)),
            full((NJP, D)), full((NJP, D)), full((D, D)), full((1, D)),
            full((1, D)), full((1, D)),
        ],
        out_specs=[pl.BlockSpec((1, CBLK, D), lambda b, i: (b, i, 0))],
        out_shape=[jax.ShapeDtypeStruct((B, N, D), jnp.float32)],
        interpret=interpret,
    )(q, fp, kvrows, found, kpe, vpe, Wo, bo, gamma, beta)[0]


def kernel(features, coords, W_feat, b_feat, W_ia, b_ia, W_p1, b_p1, W_p2,
           b_p2, Wq, bq, Wk, bk, Wv, bv, Wo, bo, gamma, beta):
    b2 = lambda x: x.reshape(1, -1)
    Wp1_8 = jnp.zeros((8, D // 2), jnp.float32).at[:3, :].set(W_p1)

    fp, q, nlin, kpe, vpe = _stage_a(
        features, coords, W_feat, b2(b_feat), Wq, b2(bq), Wp1_8, b2(b_p1),
        W_p2, b2(b_p2), Wk, b2(bk), Wv, b2(bv))

    lin_flat = nlin[:, :, 13].reshape(BN)
    nlin_flat = nlin.reshape(BN * NJ)
    fp_flat = fp.reshape(BN, D)

    tbl = _stage_s1a(lin_flat)
    rep_f = _stage_s1b(lin_flat, tbl)
    sums, cnt = _stage_seg(rep_f.reshape(B, N, 1), fp)
    kv = _stage_b(sums, cnt, W_ia, b2(b_ia), Wk, Wv)
    kvrows, found = _stage_s2(nlin_flat, lin_flat, tbl,
                              kv.reshape(BN, 2, 128))
    return _stage_c(q, fp, kvrows.reshape(B, N * NJ, D),
                    found.reshape(B, N * NJ, 1),
                    kpe, vpe, Wo, b2(bo), b2(gamma), b2(beta))

# --- scband reference (transcript-rebuilt; emitter-appended) ---
"""Pipeline reference for scband-micro-voxel-spatial-encoder-5540507812249 (READ-ONLY COPY).

The authoritative reference and input builder live on the scoring server;
editing this copy changes nothing except your own understanding.
"""

import jax, jax.numpy as jnp
import numpy as np

B, N = 2, 2048
D_IN, D = 128, 256
H, DH = 4, 64
GX, GY, GT = 128, 128, 200
TOT = GX * GY * GT
OFFS = np.array([[dx, dy, dt] for dx in (-1, 0, 1) for dy in (-1, 0, 1) for dt in (-1, 0, 1)], dtype=np.int32)


def setup_inputs(seed: int = 0):
    key = jax.random.key(seed)
    ks = jax.random.split(key, 16)
    s = 0.02
    return {
        'features': jax.random.normal(ks[0], (B, N, D_IN), dtype=jnp.float32),
        'coords': jax.random.uniform(ks[1], (B, N, 3), dtype=jnp.float32) * jnp.array([256.0, 256.0, 1.0], dtype=jnp.float32),
        'W_feat': jax.random.normal(ks[2], (D_IN, D), dtype=jnp.float32) * s,
        'b_feat': jnp.zeros((D,), jnp.float32),
        'W_ia': jax.random.normal(ks[3], (D, D), dtype=jnp.float32) * s,
        'b_ia': jnp.zeros((D,), jnp.float32),
        'W_p1': jax.random.normal(ks[4], (3, D // 2), dtype=jnp.float32) * s,
        'b_p1': jnp.zeros((D // 2,), jnp.float32),
        'W_p2': jax.random.normal(ks[5], (D // 2, D), dtype=jnp.float32) * s,
        'b_p2': jnp.zeros((D,), jnp.float32),
        'Wq': jax.random.normal(ks[6], (D, D), dtype=jnp.float32) * s,
        'bq': jnp.zeros((D,), jnp.float32),
        'Wk': jax.random.normal(ks[7], (D, D), dtype=jnp.float32) * s,
        'bk': jnp.zeros((D,), jnp.float32),
        'Wv': jax.random.normal(ks[8], (D, D), dtype=jnp.float32) * s,
        'bv': jnp.zeros((D,), jnp.float32),
        'Wo': jax.random.normal(ks[9], (D, D), dtype=jnp.float32) * s,
        'bo': jnp.zeros((D,), jnp.float32),
        'gamma': jnp.ones((D,), jnp.float32),
        'beta': jnp.zeros((D,), jnp.float32),
    }


def _voxel_idx(coords_b):
    rng = jnp.array([256.0, 256.0, 1.0], dtype=jnp.float32)
    norm = jnp.clip(coords_b / rng, 0.0, 1.0)
    gd = jnp.array([GX - 1, GY - 1, GT - 1], dtype=jnp.float32)
    return (norm * gd).astype(jnp.int32)


def reference(features, coords, W_feat, b_feat, W_ia, b_ia, W_p1, b_p1, W_p2, b_p2, Wq, bq, Wk, bk, Wv, bv, Wo, bo, gamma, beta):
    offs = jnp.asarray(OFFS)
    fp = features @ W_feat + b_feat  # [B,N,D]
    # positional encoding of the 27 offsets (shared across points)
    pe = jax.nn.relu(offs.astype(jnp.float32) @ W_p1 + b_p1) @ W_p2 + b_p2  # [27,D]
    gdims = jnp.array([GX, GY, GT], dtype=jnp.int32)
    outs = []
    for b in range(B):
        vox = _voxel_idx(coords[b])                      # [N,3]
        lin = vox[:, 0] * (GY * GT) + vox[:, 1] * GT + vox[:, 2]
        uniq, inv = jnp.unique(lin, return_inverse=True, size=N, fill_value=TOT)
        inv = inv.reshape(-1)
        cnt = jax.ops.segment_sum(jnp.ones((N,), jnp.float32), inv, num_segments=N)
        sums = jax.ops.segment_sum(fp[b], inv, num_segments=N)
        means = sums / jnp.maximum(cnt, 1.0)[:, None]
        vf = jax.nn.relu(means @ W_ia + b_ia)            # [N,D] per-unique-voxel features
        nvox = vox[:, None, :] + offs[None, :, :]        # [N,27,3]
        inb = jnp.all((nvox >= 0) & (nvox < gdims[None, None, :]), axis=-1)
        nlin = nvox[..., 0] * (GY * GT) + nvox[..., 1] * GT + nvox[..., 2]
        pos = jnp.clip(jnp.searchsorted(uniq, nlin), 0, N - 1)
        found = inb & (uniq[pos] == nlin) & (cnt[pos] > 0)  # [N,27]
        kv = vf[pos] + pe[None, :, :]                    # [N,27,D]
        q = (fp[b] @ Wq + bq).reshape(N, H, DH)
        k = (kv @ Wk + bk).reshape(N, 27, H, DH)
        v = (kv @ Wv + bv).reshape(N, 27, H, DH)
        logits = jnp.einsum('nhd,nkhd->nhk', q, k) / np.sqrt(DH).astype(np.float32)
        logits = jnp.where(found[:, None, :], logits, -1e9)
        attn = jax.nn.softmax(logits, axis=-1)
        ctx = jnp.einsum('nhk,nkhd->nkhd'[:9].replace('k','K') if False else 'nhk,nkhd->nhd', attn, v).reshape(N, D)
        out = ctx @ Wo + bo
        any_valid = found.any(axis=1)
        enh = fp[b] + jnp.where(any_valid[:, None], out, 0.0)
        mu = enh.mean(axis=-1, keepdims=True)
        var = ((enh - mu) ** 2).mean(axis=-1, keepdims=True)
        enh = (enh - mu) / jnp.sqrt(var + 1e-5) * gamma + beta
        outs.append(enh)
    return jnp.stack(outs, axis=0)

if __name__ == "__main__":
    import jax
    _d = setup_inputs()
    print(jax.jit(kernel)(*tuple(_d.values())))

</pallas_src>

<mosaic_0001>
#map = affine_map<(d0, d1) -> (0)>
module attributes {stable_mosaic.version = 14 : i64} {
  func.func @_s1a_body(%arg0: i32, %arg1: i32, %arg2: memref<4096xi32, #tpu.memory_space<hbm>>, %arg3: memref<6553600xi32, #tpu.memory_space<hbm>>, %arg4: memref<128xi32, #tpu.memory_space<vmem>>, %arg5: memref<128xi32, #tpu.memory_space<vmem>>, %arg6: memref<!tpu.dma_semaphore, #tpu.memory_space<semaphore_mem>>) attributes {dimension_semantics = [#tpu.dimension_semantics<core_parallel>, #tpu.dimension_semantics<subcore_parallel>], iteration_bounds = array<i64: 2, 16>, scalar_prefetch = 0 : i64, scratch_operands = 3 : i64, tpu.core_type = #tpu.core_type<sc_vector_subcore>, window_params = [{transform_indices = #map}, {transform_indices = #map}]} {
    %mul3A = arith.constant 2 : i32
    %mul3A_0 = arith.muli %arg1, %mul3A : i32
    %add3A = arith.addi %mul3A_0, %arg0 : i32
    %mul3A_1 = arith.constant 128 : i32
    %mul3A_2 = arith.muli %add3A, %mul3A_1 : i32
    %jit3A = arith.constant 2048 : i32
    %div3A = arith.divsi %mul3A_2, %jit3A : i32
    %sign3A = arith.constant 0 : i32
    %sign3A_3 = arith.cmpi sgt, %mul3A_2, %sign3A : i32
    %sign3A_4 = arith.extui %sign3A_3 : i1 to i32
    %sign3A_5 = arith.constant 0 : i32
    %sign3A_6 = arith.cmpi slt, %mul3A_2, %sign3A_5 : i32
    %sign3A_7 = arith.extui %sign3A_6 : i1 to i32
    %sign3A_8 = arith.subi %sign3A_4, %sign3A_7 : i32
    %sign3A_9 = arith.constant 0 : i32
    %sign3A_10 = arith.cmpi sgt, %jit3A, %sign3A_9 : i32
    %sign3A_11 = arith.extui %sign3A_10 : i1 to i32
    %sign3A_12 = arith.constant 0 : i32
    %sign3A_13 = arith.cmpi slt, %jit3A, %sign3A_12 : i32
    %sign3A_14 = arith.extui %sign3A_13 : i1 to i32
    %sign3A_15 = arith.subi %sign3A_11, %sign3A_14 : i32
    %ne3A = arith.cmpi ne, %sign3A_8, %sign3A_15 : i32
    %rem3A = arith.remsi %mul3A_2, %jit3A : i32
    %ne3A_16 = arith.constant 0 : i32
    %ne3A_17 = arith.cmpi ne, %rem3A, %ne3A_16 : i32
    %and3A = arith.andi %ne3A, %ne3A_17 : i1
    %sub3A = arith.constant 1 : i32
    %sub3A_18 = arith.subi %div3A, %sub3A : i32
    %select_n3A = arith.select %and3A, %sub3A_18, %div3A : i32
    "tpu.region"() ({
      %run_scoped3A = tpu.sem_alloc : memref<!tpu.dma_semaphore, #tpu.memory_space<semaphore_mem>>
      %dma_start3A_27 = tpu.memref_slice %arg2[%mul3A_2] : memref<4096xi32, #tpu.memory_space<hbm>> -> memref<128xi32, #tpu.memory_space<hbm>>
      %dma_start3A_28 = tpu.memref_slice %arg2[%mul3A_2] : memref<4096xi32, #tpu.memory_space<hbm>> -> memref<128xi32, #tpu.memory_space<hbm>>
      tpu.enqueue_dma source(%dma_start3A_28 : memref<128xi32, #tpu.memory_space<hbm>>) target(%arg4 : memref<128xi32, #tpu.memory_space<vmem>>) target_semaphore(%run_scoped3A : memref<!tpu.dma_semaphore, #tpu.memory_space<semaphore_mem>>)
      %dma_wait3A_29 = tpu.memref_slice %arg2[%mul3A_2] : memref<4096xi32, #tpu.memory_space<hbm>> -> memref<128xi32, #tpu.memory_space<hbm>>
      %dma_wait3A_30 = tpu.memref_slice %arg2[%mul3A_2] : memref<4096xi32, #tpu.memory_space<hbm>> -> memref<128xi32, #tpu.memory_space<hbm>>
      tpu.wait_dma2 semaphore(%run_scoped3A : memref<!tpu.dma_semaphore, #tpu.memory_space<semaphore_mem>>) src(%dma_wait3A_30 : memref<128xi32, #tpu.memory_space<hbm>>) dst(%arg4 : memref<128xi32, #tpu.memory_space<vmem>>)
      tpu.yield
    }) : () -> ()
    %scan3A = arith.constant 0 : i32
    %scan3A_19 = arith.constant 0 : i32
    %scan3A_20 = arith.constant 8 : i32
    %scan3A_21 = arith.addi %scan3A_19, %scan3A_20 : i32
    %scan3A_22 = arith.constant 1 : i32
    %scan3A_23 = scf.for %scan3A_27 = %scan3A_19 to %scan3A_21 step %scan3A_22 iter_args(%scan3A_28 = %scan3A) -> (i32)  : i32 {
      %mul3A_29 = arith.constant 16 : i32
      %mul3A_30 = arith.muli %scan3A_27, %mul3A_29 : i32
      %get3A = arith.index_cast %mul3A_30 : i32 to index
      %get3A_31 = tpu.vector_load %arg4[%get3A] {strides = array<i32>} : memref<128xi32, #tpu.memory_space<vmem>>, vector<16xi32>,
      %get3A_32 = vector.shape_cast %get3A_31 : vector<16xi32> to vector<16xi32>
      %mul3A_33 = arith.constant 3276800 : i32
      %mul3A_34 = arith.muli %select_n3A, %mul3A_33 : i32
      %add3A_35 = vector.broadcast %mul3A_34 : i32 to vector<16xi32>
      %add3A_36 = arith.addi %get3A_32, %add3A_35 : vector<16xi32>
      %swap3A = arith.index_cast %mul3A_30 : i32 to index
      %swap3A_37 = tpu.vector_load %arg4[%swap3A] {strides = array<i32>} : memref<128xi32, #tpu.memory_space<vmem>>, vector<16xi32>,
      %swap3A_38 = vector.shape_cast %swap3A_37 : vector<16xi32> to vector<16xi32>
      %swap3A_39 = vector.shape_cast %add3A_36 : vector<16xi32> to vector<16xi32>
      tpu.vector_store %arg4[%swap3A], %swap3A_39 {strides = array<i32>} : memref<128xi32, #tpu.memory_space<vmem>>, vector<16xi32>,
      %mul3A_40 = arith.constant 2048 : i32
      %mul3A_41 = arith.muli %select_n3A, %mul3A_40 : i32
      %sub3A_42 = arith.subi %mul3A_2, %mul3A_41 : i32
      %mul3A_43 = arith.constant 16 : i32
      %mul3A_44 = arith.muli %scan3A_27, %mul3A_43 : i32
      %add3A_45 = arith.addi %sub3A_42, %mul3A_44 : i32
      %iota3A = tpu.iota {dimensions = array<i32: 0>} : vector<16xi32>
      %add3A_46 = vector.broadcast %add3A_45 : i32 to vector<16xi32>
      %add3A_47 = arith.addi %add3A_46, %iota3A : vector<16xi32>
      %swap3A_48 = arith.index_cast %mul3A_30 : i32 to index
      %swap3A_49 = tpu.vector_load %arg5[%swap3A_48] {strides = array<i32>} : memref<128xi32, #tpu.memory_space<vmem>>, vector<16xi32>,
      %swap3A_50 = vector.shape_cast %swap3A_49 : vector<16xi32> to vector<16xi32>
      %swap3A_51 = vector.shape_cast %add3A_47 : vector<16xi32> to vector<16xi32>
      tpu.vector_store %arg5[%swap3A_48], %swap3A_51 {strides = array<i32>} : memref<128xi32, #tpu.memory_space<vmem>>, vector<16xi32>,
      %scan3A_52 = arith.constant 0 : i32
      scf.yield %scan3A_52 : i32
    }
    %scan3A_24 = arith.constant 8 : i32
    %dma_start3A = arith.constant 0 : i32
    %dma_start3A_25 = tpu.memref_slice %arg3[%dma_start3A] : memref<6553600xi32, #tpu.memory_space<hbm>> -> memref<6553600xi32, #tpu.memory_space<hbm>>
    tpu.enqueue_indirect_dma source(%arg5 : memref<128xi32, #tpu.memory_space<vmem>>) target(%dma_start3A_25 : memref<6553600xi32, #tpu.memory_space<hbm>>) offsets(%arg4 : memref<128xi32, #tpu.memory_space<vmem>>) semaphore(%arg6 : memref<!tpu.dma_semaphore, #tpu.memory_space<semaphore_mem>>)
    %dma_wait3A = arith.constant 0 : i32
    %dma_wait3A_26 = tpu.memref_slice %arg3[%dma_wait3A] : memref<6553600xi32, #tpu.memory_space<hbm>> -> memref<6553600xi32, #tpu.memory_space<hbm>>
    tpu.wait_indirect_dma semaphore(%arg6 : memref<!tpu.dma_semaphore, #tpu.memory_space<semaphore_mem>>) src(%arg5 : memref<128xi32, #tpu.memory_space<vmem>>) dst(%dma_wait3A_26 : memref<6553600xi32, #tpu.memory_space<hbm>>)
    return
  }
}

#map = affine_map<(d0, d1) -> (0)>
module attributes {stable_mosaic.version = 14 : i64} {
  func.func @_s1b_body(%arg0: i32, %arg1: i32, %arg2: memref<4096xi32, #tpu.memory_space<hbm>>, %arg3: memref<6553600xi32, #tpu.memory_space<hbm>>, %arg4: memref<4096xf32, #tpu.memory_space<hbm>>, %arg5: memref<128xi32, #tpu.memory_space<vmem>>, %arg6: memref<128xi32, #tpu.memory_space<vmem>>, %arg7: memref<128xf32, #tpu.memory_space<vmem>>, %arg8: memref<!tpu.dma_semaphore, #tpu.memory_space<semaphore_mem>>) attributes {dimension_semantics = [#tpu.dimension_semantics<core_parallel>, #tpu.dimension_semantics<subcore_parallel>], iteration_bounds = array<i64: 2, 16>, scalar_prefetch = 0 : i64, scratch_operands = 4 : i64, tpu.core_type = #tpu.core_type<sc_vector_subcore>, window_params = [{transform_indices = #map}, {transform_indices = #map}, {transform_indices = #map}]} {
    %mul3A = arith.constant 2 : i32
    %mul3A_0 = arith.muli %arg1, %mul3A : i32
    %add3A = arith.addi %mul3A_0, %arg0 : i32
    %mul3A_1 = arith.constant 128 : i32
    %mul3A_2 = arith.muli %add3A, %mul3A_1 : i32
    %jit3A = arith.constant 2048 : i32
    %div3A = arith.divsi %mul3A_2, %jit3A : i32
    %sign3A = arith.constant 0 : i32
    %sign3A_3 = arith.cmpi sgt, %mul3A_2, %sign3A : i32
    %sign3A_4 = arith.extui %sign3A_3 : i1 to i32
    %sign3A_5 = arith.constant 0 : i32
    %sign3A_6 = arith.cmpi slt, %mul3A_2, %sign3A_5 : i32
    %sign3A_7 = arith.extui %sign3A_6 : i1 to i32
    %sign3A_8 = arith.subi %sign3A_4, %sign3A_7 : i32
    %sign3A_9 = arith.constant 0 : i32
    %sign3A_10 = arith.cmpi sgt, %jit3A, %sign3A_9 : i32
    %sign3A_11 = arith.extui %sign3A_10 : i1 to i32
    %sign3A_12 = arith.constant 0 : i32
    %sign3A_13 = arith.cmpi slt, %jit3A, %sign3A_12 : i32
    %sign3A_14 = arith.extui %sign3A_13 : i1 to i32
    %sign3A_15 = arith.subi %sign3A_11, %sign3A_14 : i32
    %ne3A = arith.cmpi ne, %sign3A_8, %sign3A_15 : i32
    %rem3A = arith.remsi %mul3A_2, %jit3A : i32
    %ne3A_16 = arith.constant 0 : i32
    %ne3A_17 = arith.cmpi ne, %rem3A, %ne3A_16 : i32
    %and3A = arith.andi %ne3A, %ne3A_17 : i1
    %sub3A = arith.constant 1 : i32
    %sub3A_18 = arith.subi %div3A, %sub3A : i32
    %select_n3A = arith.select %and3A, %sub3A_18, %div3A : i32
    "tpu.region"() ({
      %run_scoped3A = tpu.sem_alloc : memref<!tpu.dma_semaphore, #tpu.memory_space<semaphore_mem>>
      %dma_start3A_34 = tpu.memref_slice %arg2[%mul3A_2] : memref<4096xi32, #tpu.memory_space<hbm>> -> memref<128xi32, #tpu.memory_space<hbm>>
      %dma_start3A_35 = tpu.memref_slice %arg2[%mul3A_2] : memref<4096xi32, #tpu.memory_space<hbm>> -> memref<128xi32, #tpu.memory_space<hbm>>
      tpu.enqueue_dma source(%dma_start3A_35 : memref<128xi32, #tpu.memory_space<hbm>>) target(%arg5 : memref<128xi32, #tpu.memory_space<vmem>>) target_semaphore(%run_scoped3A : memref<!tpu.dma_semaphore, #tpu.memory_space<semaphore_mem>>)
      %dma_wait3A_36 = tpu.memref_slice %arg2[%mul3A_2] : memref<4096xi32, #tpu.memory_space<hbm>> -> memref<128xi32, #tpu.memory_space<hbm>>
      %dma_wait3A_37 = tpu.memref_slice %arg2[%mul3A_2] : memref<4096xi32, #tpu.memory_space<hbm>> -> memref<128xi32, #tpu.memory_space<hbm>>
      tpu.wait_dma2 semaphore(%run_scoped3A : memref<!tpu.dma_semaphore, #tpu.memory_space<semaphore_mem>>) src(%dma_wait3A_37 : memref<128xi32, #tpu.memory_space<hbm>>) dst(%arg5 : memref<128xi32, #tpu.memory_space<vmem>>)
      tpu.yield
    }) : () -> ()
    %scan3A = arith.constant 0 : i32
    %scan3A_19 = arith.constant 0 : i32
    %scan3A_20 = arith.constant 8 : i32
    %scan3A_21 = arith.addi %scan3A_19, %scan3A_20 : i32
    %scan3A_22 = arith.constant 1 : i32
    %scan3A_23 = scf.for %scan3A_34 = %scan3A_19 to %scan3A_21 step %scan3A_22 iter_args(%scan3A_35 = %scan3A) -> (i32)  : i32 {
      %mul3A_36 = arith.constant 16 : i32
      %mul3A_37 = arith.muli %scan3A_34, %mul3A_36 : i32
      %get3A = arith.index_cast %mul3A_37 : i32 to index
      %get3A_38 = tpu.vector_load %arg5[%get3A] {strides = array<i32>} : memref<128xi32, #tpu.memory_space<vmem>>, vector<16xi32>,
      %get3A_39 = vector.shape_cast %get3A_38 : vector<16xi32> to vector<16xi32>
      %mul3A_40 = arith.constant 3276800 : i32
      %mul3A_41 = arith.muli %select_n3A, %mul3A_40 : i32
      %add3A_42 = vector.broadcast %mul3A_41 : i32 to vector<16xi32>
      %add3A_43 = arith.addi %get3A_39, %add3A_42 : vector<16xi32>
      %swap3A = arith.index_cast %mul3A_37 : i32 to index
      %swap3A_44 = tpu.vector_load %arg5[%swap3A] {strides = array<i32>} : memref<128xi32, #tpu.memory_space<vmem>>, vector<16xi32>,
      %swap3A_45 = vector.shape_cast %swap3A_44 : vector<16xi32> to vector<16xi32>
      %swap3A_46 = vector.shape_cast %add3A_43 : vector<16xi32> to vector<16xi32>
      tpu.vector_store %arg5[%swap3A], %swap3A_46 {strides = array<i32>} : memref<128xi32, #tpu.memory_space<vmem>>, vector<16xi32>,
      %scan3A_47 = arith.constant 0 : i32
      scf.yield %scan3A_47 : i32
    }
    %scan3A_24 = arith.constant 8 : i32
    %dma_start3A = arith.constant 0 : i32
    %dma_start3A_25 = tpu.memref_slice %arg3[%dma_start3A] : memref<6553600xi32, #tpu.memory_space<hbm>> -> memref<6553600xi32, #tpu.memory_space<hbm>>
    tpu.enqueue_indirect_dma source(%dma_start3A_25 : memref<6553600xi32, #tpu.memory_space<hbm>>) target(%arg6 : memref<128xi32, #tpu.memory_space<vmem>>) offsets(%arg5 : memref<128xi32, #tpu.memory_space<vmem>>) semaphore(%arg8 : memref<!tpu.dma_semaphore, #tpu.memory_space<semaphore_mem>>)
    %dma_wait3A = arith.constant 0 : i32
    %dma_wait3A_26 = tpu.memref_slice %arg3[%dma_wait3A] : memref<6553600xi32, #tpu.memory_space<hbm>> -> memref<6553600xi32, #tpu.memory_space<hbm>>
    tpu.wait_indirect_dma semaphore(%arg8 : memref<!tpu.dma_semaphore, #tpu.memory_space<semaphore_mem>>) src(%dma_wait3A_26 : memref<6553600xi32, #tpu.memory_space<hbm>>) dst(%arg6 : memref<128xi32, #tpu.memory_space<vmem>>)
    %scan3A_27 = arith.constant 0 : i32
    %scan3A_28 = arith.constant 0 : i32
    %scan3A_29 = arith.constant 8 : i32
    %scan3A_30 = arith.addi %scan3A_28, %scan3A_29 : i32
    %scan3A_31 = arith.constant 1 : i32
    %scan3A_32 = scf.for %scan3A_34 = %scan3A_28 to %scan3A_30 step %scan3A_31 iter_args(%scan3A_35 = %scan3A_27) -> (i32)  : i32 {
      %mul3A_36 = arith.constant 16 : i32
      %mul3A_37 = arith.muli %scan3A_34, %mul3A_36 : i32
      %get3A = arith.index_cast %mul3A_37 : i32 to index
      %get3A_38 = tpu.vector_load %arg6[%get3A] {strides = array<i32>} : memref<128xi32, #tpu.memory_space<vmem>>, vector<16xi32>,
      %get3A_39 = vector.shape_cast %get3A_38 : vector<16xi32> to vector<16xi32>
      %convert_element_type3A = arith.sitofp %get3A_39 : vector<16xi32> to vector<16xf32>
      %swap3A = arith.index_cast %mul3A_37 : i32 to index
      %swap3A_40 = tpu.vector_load %arg7[%swap3A] {strides = array<i32>} : memref<128xf32, #tpu.memory_space<vmem>>, vector<16xf32>,
      %swap3A_41 = vector.shape_cast %swap3A_40 : vector<16xf32> to vector<16xf32>
      %swap3A_42 = vector.shape_cast %convert_element_type3A : vector<16xf32> to vector<16xf32>
      tpu.vector_store %arg7[%swap3A], %swap3A_42 {strides = array<i32>} : memref<128xf32, #tpu.memory_space<vmem>>, vector<16xf32>,
      %scan3A_43 = arith.constant 0 : i32
      scf.yield %scan3A_43 : i32
    }
    %scan3A_33 = arith.constant 8 : i32
    "tpu.region"() ({
      %run_scoped3A = tpu.sem_alloc : memref<!tpu.dma_semaphore, #tpu.memory_space<semaphore_mem>>
      %dma_start3A_34 = tpu.memref_slice %arg4[%mul3A_2] : memref<4096xf32, #tpu.memory_space<hbm>> -> memref<128xf32, #tpu.memory_space<hbm>>
      %dma_start3A_35 = tpu.memref_slice %arg4[%mul3A_2] : memref<4096xf32, #tpu.memory_space<hbm>> -> memref<128xf32, #tpu.memory_space<hbm>>
      tpu.enqueue_dma source(%arg7 : memref<128xf32, #tpu.memory_space<vmem>>) target(%dma_start3A_35 : memref<128xf32, #tpu.memory_space<hbm>>) target_semaphore(%run_scoped3A : memref<!tpu.dma_semaphore, #tpu.memory_space<semaphore_mem>>)
      %dma_wait3A_36 = tpu.memref_slice %arg4[%mul3A_2] : memref<4096xf32, #tpu.memory_space<hbm>> -> memref<128xf32, #tpu.memory_space<hbm>>
      %dma_wait3A_37 = tpu.memref_slice %arg4[%mul3A_2] : memref<4096xf32, #tpu.memory_space<hbm>> -> memref<128xf32, #tpu.memory_space<hbm>>
      tpu.wait_dma2 semaphore(%run_scoped3A : memref<!tpu.dma_semaphore, #tpu.memory_space<semaphore_mem>>) src(%arg7 : memref<128xf32, #tpu.memory_space<vmem>>) dst(%dma_wait3A_37 : memref<128xf32, #tpu.memory_space<hbm>>)
      tpu.yield
    }) : () -> ()
    return
  }
}

#map = affine_map<(d0, d1) -> (0)>
#map1 = affine_map<(d0, d1) -> (0, 0, 0)>
module attributes {stable_mosaic.version = 14 : i64} {
  func.func @_s2_body(%arg0: i32, %arg1: i32, %arg2: memref<110592xi32, #tpu.memory_space<hbm>>, %arg3: memref<4096xi32, #tpu.memory_space<hbm>>, %arg4: memref<6553600xi32, #tpu.memory_space<hbm>>, %arg5: memref<4096x2x128xi32, #tpu.memory_space<hbm>>, %arg6: memref<110592x2x128xi32, #tpu.memory_space<hbm>>, %arg7: memref<110592xi32, #tpu.memory_space<hbm>>, %arg8: memref<128xi32, #tpu.memory_space<vmem>>, %arg9: memref<128xi32, #tpu.memory_space<vmem>>, %arg10: memref<128xi32, #tpu.memory_space<vmem>>, %arg11: memref<128xi32, #tpu.memory_space<vmem>>, %arg12: memref<128xi32, #tpu.memory_space<vmem>>, %arg13: memref<128xi32, #tpu.memory_space<vmem>>, %arg14: memref<128xi32, #tpu.memory_space<vmem>>, %arg15: memref<128x2x128xi32, #tpu.memory_space<vmem>>, %arg16: memref<!tpu.dma_semaphore, #tpu.memory_space<semaphore_mem>>) attributes {dimension_semantics = [#tpu.dimension_semantics<core_parallel>, #tpu.dimension_semantics<subcore_parallel>], iteration_bounds = array<i64: 2, 16>, scalar_prefetch = 0 : i64, scratch_operands = 9 : i64, tpu.core_type = #tpu.core_type<sc_vector_subcore>, window_params = [{transform_indices = #map}, {transform_indices = #map}, {transform_indices = #map}, {transform_indices = #map1}, {transform_indices = #map1}, {transform_indices = #map}]} {
    %mul3A = arith.constant 2 : i32
    %mul3A_0 = arith.muli %arg1, %mul3A : i32
    %add3A = arith.addi %mul3A_0, %arg0 : i32
    %mul3A_1 = arith.constant 128 : i32
    %mul3A_2 = arith.muli %add3A, %mul3A_1 : i32
    %jit3A = arith.constant 2048 : i32
    %div3A = arith.divsi %mul3A_2, %jit3A : i32
    %sign3A = arith.constant 0 : i32
    %sign3A_3 = arith.cmpi sgt, %mul3A_2, %sign3A : i32
    %sign3A_4 = arith.extui %sign3A_3 : i1 to i32
    %sign3A_5 = arith.constant 0 : i32
    %sign3A_6 = arith.cmpi slt, %mul3A_2, %sign3A_5 : i32
    %sign3A_7 = arith.extui %sign3A_6 : i1 to i32
    %sign3A_8 = arith.subi %sign3A_4, %sign3A_7 : i32
    %sign3A_9 = arith.constant 0 : i32
    %sign3A_10 = arith.cmpi sgt, %jit3A, %sign3A_9 : i32
    %sign3A_11 = arith.extui %sign3A_10 : i1 to i32
    %sign3A_12 = arith.constant 0 : i32
    %sign3A_13 = arith.cmpi slt, %jit3A, %sign3A_12 : i32
    %sign3A_14 = arith.extui %sign3A_13 : i1 to i32
    %sign3A_15 = arith.subi %sign3A_11, %sign3A_14 : i32
    %ne3A = arith.cmpi ne, %sign3A_8, %sign3A_15 : i32
    %rem3A = arith.remsi %mul3A_2, %jit3A : i32
    %ne3A_16 = arith.constant 0 : i32
    %ne3A_17 = arith.cmpi ne, %rem3A, %ne3A_16 : i32
    %and3A = arith.andi %ne3A, %ne3A_17 : i1
    %sub3A = arith.constant 1 : i32
    %sub3A_18 = arith.subi %div3A, %sub3A : i32
    %select_n3A = arith.select %and3A, %sub3A_18, %div3A : i32
    %scan3A = arith.constant 0 : i32
    %scan3A_19 = arith.constant 0 : i32
    %scan3A_20 = arith.constant 27 : i32
    %scan3A_21 = arith.addi %scan3A_19, %scan3A_20 : i32
    %scan3A_22 = arith.constant 1 : i32
    %scan3A_23 = scf.for %scan3A_25 = %scan3A_19 to %scan3A_21 step %scan3A_22 iter_args(%scan3A_26 = %scan3A) -> (i32)  : i32 {
      %mul3A_27 = arith.constant 27 : i32
      %mul3A_28 = arith.muli %mul3A_2, %mul3A_27 : i32
      %mul3A_29 = arith.constant 128 : i32
      %mul3A_30 = arith.muli %scan3A_25, %mul3A_29 : i32
      %add3A_31 = arith.addi %mul3A_28, %mul3A_30 : i32
      "tpu.region"() ({
        %run_scoped3A = tpu.sem_alloc : memref<!tpu.dma_semaphore, #tpu.memory_space<semaphore_mem>>
        %dma_start3A_68 = tpu.memref_slice %arg2[%add3A_31] : memref<110592xi32, #tpu.memory_space<hbm>> -> memref<128xi32, #tpu.memory_space<hbm>>
        %dma_start3A_69 = tpu.memref_slice %arg2[%add3A_31] : memref<110592xi32, #tpu.memory_space<hbm>> -> memref<128xi32, #tpu.memory_space<hbm>>
        tpu.enqueue_dma source(%dma_start3A_69 : memref<128xi32, #tpu.memory_space<hbm>>) target(%arg8 : memref<128xi32, #tpu.memory_space<vmem>>) target_semaphore(%run_scoped3A : memref<!tpu.dma_semaphore, #tpu.memory_space<semaphore_mem>>)
        %dma_wait3A_70 = tpu.memref_slice %arg2[%add3A_31] : memref<110592xi32, #tpu.memory_space<hbm>> -> memref<128xi32, #tpu.memory_space<hbm>>
        %dma_wait3A_71 = tpu.memref_slice %arg2[%add3A_31] : memref<110592xi32, #tpu.memory_space<hbm>> -> memref<128xi32, #tpu.memory_space<hbm>>
        tpu.wait_dma2 semaphore(%run_scoped3A : memref<!tpu.dma_semaphore, #tpu.memory_space<semaphore_mem>>) src(%dma_wait3A_71 : memref<128xi32, #tpu.memory_space<hbm>>) dst(%arg8 : memref<128xi32, #tpu.memory_space<vmem>>)
        tpu.yield
      }) : () -> ()
      %scan3A_32 = arith.constant 0 : i32
      %scan3A_33 = arith.constant 0 : i32
      %scan3A_34 = arith.constant 8 : i32
      %scan3A_35 = arith.addi %scan3A_33, %scan3A_34 : i32
      %scan3A_36 = arith.constant 1 : i32
      %scan3A_37 = scf.for %scan3A_68 = %scan3A_33 to %scan3A_35 step %scan3A_36 iter_args(%scan3A_69 = %scan3A_32) -> (i32)  : i32 {
        %mul3A_70 = arith.constant 16 : i32
        %mul3A_71 = arith.muli %scan3A_68, %mul3A_70 : i32
        %get3A = arith.index_cast %mul3A_71 : i32 to index
        %get3A_72 = tpu.vector_load %arg8[%get3A] {strides = array<i32>} : memref<128xi32, #tpu.memory_space<vmem>>, vector<16xi32>,
        %get3A_73 = vector.shape_cast %get3A_72 : vector<16xi32> to vector<16xi32>
        %max3A = arith.constant 0 : i32
        %max3A_74 = vector.broadcast %max3A : i32 to vector<16xi32>
        %max3A_75 = arith.maxsi %get3A_73, %max3A_74 : vector<16xi32>
        %mul3A_76 = arith.constant 3276800 : i32
        %mul3A_77 = arith.muli %select_n3A, %mul3A_76 : i32
        %add3A_78 = vector.broadcast %mul3A_77 : i32 to vector<16xi32>
        %add3A_79 = arith.addi %max3A_75, %add3A_78 : vector<16xi32>
        %swap3A = arith.index_cast %mul3A_71 : i32 to index
        %swap3A_80 = tpu.vector_load %arg9[%swap3A] {strides = array<i32>} : memref<128xi32, #tpu.memory_space<vmem>>, vector<16xi32>,
        %swap3A_81 = vector.shape_cast %swap3A_80 : vector<16xi32> to vector<16xi32>
        %swap3A_82 = vector.shape_cast %add3A_79 : vector<16xi32> to vector<16xi32>
        tpu.vector_store %arg9[%swap3A], %swap3A_82 {strides = array<i32>} : memref<128xi32, #tpu.memory_space<vmem>>, vector<16xi32>,
        %scan3A_83 = arith.constant 0 : i32
        scf.yield %scan3A_83 : i32
      }
      %scan3A_38 = arith.constant 8 : i32
      %dma_start3A = arith.constant 0 : i32
      %dma_start3A_39 = tpu.memref_slice %arg4[%dma_start3A] : memref<6553600xi32, #tpu.memory_space<hbm>> -> memref<6553600xi32, #tpu.memory_space<hbm>>
      tpu.enqueue_indirect_dma source(%dma_start3A_39 : memref<6553600xi32, #tpu.memory_space<hbm>>) target(%arg10 : memref<128xi32, #tpu.memory_space<vmem>>) offsets(%arg9 : memref<128xi32, #tpu.memory_space<vmem>>) semaphore(%arg16 : memref<!tpu.dma_semaphore, #tpu.memory_space<semaphore_mem>>)
      %dma_wait3A = arith.constant 0 : i32
      %dma_wait3A_40 = tpu.memref_slice %arg4[%dma_wait3A] : memref<6553600xi32, #tpu.memory_space<hbm>> -> memref<6553600xi32, #tpu.memory_space<hbm>>
      tpu.wait_indirect_dma semaphore(%arg16 : memref<!tpu.dma_semaphore, #tpu.memory_space<semaphore_mem>>) src(%dma_wait3A_40 : memref<6553600xi32, #tpu.memory_space<hbm>>) dst(%arg10 : memref<128xi32, #tpu.memory_space<vmem>>)
      %scan3A_41 = arith.constant 0 : i32
      %scan3A_42 = arith.constant 0 : i32
      %scan3A_43 = arith.constant 8 : i32
      %scan3A_44 = arith.addi %scan3A_42, %scan3A_43 : i32
      %scan3A_45 = arith.constant 1 : i32
      %scan3A_46 = scf.for %scan3A_68 = %scan3A_42 to %scan3A_44 step %scan3A_45 iter_args(%scan3A_69 = %scan3A_41) -> (i32)  : i32 {
        %mul3A_70 = arith.constant 16 : i32
        %mul3A_71 = arith.muli %scan3A_68, %mul3A_70 : i32
        %get3A = arith.index_cast %mul3A_71 : i32 to index
        %get3A_72 = tpu.vector_load %arg10[%get3A] {strides = array<i32>} : memref<128xi32, #tpu.memory_space<vmem>>, vector<16xi32>,
        %get3A_73 = vector.shape_cast %get3A_72 : vector<16xi32> to vector<16xi32>
        %jit3A_74 = arith.constant 0 : i32
        %jit3A_75 = arith.constant 2047 : i32
        %max3A = vector.broadcast %jit3A_74 : i32 to vector<16xi32>
        %max3A_76 = arith.maxsi %max3A, %get3A_73 : vector<16xi32>
        %min3A = vector.broadcast %jit3A_75 : i32 to vector<16xi32>
        %min3A_77 = arith.minsi %min3A, %max3A_76 : vector<16xi32>
        %mul3A_78 = arith.constant 2048 : i32
        %mul3A_79 = arith.muli %select_n3A, %mul3A_78 : i32
        %add3A_80 = vector.broadcast %mul3A_79 : i32 to vector<16xi32>
        %add3A_81 = arith.addi %min3A_77, %add3A_80 : vector<16xi32>
        %swap3A = arith.index_cast %mul3A_71 : i32 to index
        %swap3A_82 = tpu.vector_load %arg11[%swap3A] {strides = array<i32>} : memref<128xi32, #tpu.memory_space<vmem>>, vector<16xi32>,
        %swap3A_83 = vector.shape_cast %swap3A_82 : vector<16xi32> to vector<16xi32>
        %swap3A_84 = vector.shape_cast %add3A_81 : vector<16xi32> to vector<16xi32>
        tpu.vector_store %arg11[%swap3A], %swap3A_84 {strides = array<i32>} : memref<128xi32, #tpu.memory_space<vmem>>, vector<16xi32>,
        %scan3A_85 = arith.constant 0 : i32
        scf.yield %scan3A_85 : i32
      }
      %scan3A_47 = arith.constant 8 : i32
      %dma_start3A_48 = arith.constant 0 : i32
      %dma_start3A_49 = tpu.memref_slice %arg3[%dma_start3A_48] : memref<4096xi32, #tpu.memory_space<hbm>> -> memref<4096xi32, #tpu.memory_space<hbm>>
      tpu.enqueue_indirect_dma source(%dma_start3A_49 : memref<4096xi32, #tpu.memory_space<hbm>>) target(%arg12 : memref<128xi32, #tpu.memory_space<vmem>>) offsets(%arg11 : memref<128xi32, #tpu.memory_space<vmem>>) semaphore(%arg16 : memref<!tpu.dma_semaphore, #tpu.memory_space<semaphore_mem>>)
      %dma_wait3A_50 = arith.constant 0 : i32
      %dma_wait3A_51 = tpu.memref_slice %arg3[%dma_wait3A_50] : memref<4096xi32, #tpu.memory_space<hbm>> -> memref<4096xi32, #tpu.memory_space<hbm>>
      tpu.wait_indirect_dma semaphore(%arg16 : memref<!tpu.dma_semaphore, #tpu.memory_space<semaphore_mem>>) src(%dma_wait3A_51 : memref<4096xi32, #tpu.memory_space<hbm>>) dst(%arg12 : memref<128xi32, #tpu.memory_space<vmem>>)
      %scan3A_52 = arith.constant 0 : i32
      %scan3A_53 = arith.constant 0 : i32
      %scan3A_54 = arith.constant 8 : i32
      %scan3A_55 = arith.addi %scan3A_53, %scan3A_54 : i32
      %scan3A_56 = arith.constant 1 : i32
      %scan3A_57 = scf.for %scan3A_68 = %scan3A_53 to %scan3A_55 step %scan3A_56 iter_args(%scan3A_69 = %scan3A_52) -> (i32)  : i32 {
        %mul3A_70 = arith.constant 16 : i32
        %mul3A_71 = arith.muli %scan3A_68, %mul3A_70 : i32
        %get3A = arith.index_cast %mul3A_71 : i32 to index
        %get3A_72 = tpu.vector_load %arg8[%get3A] {strides = array<i32>} : memref<128xi32, #tpu.memory_space<vmem>>, vector<16xi32>,
        %get3A_73 = vector.shape_cast %get3A_72 : vector<16xi32> to vector<16xi32>
        %ge3A = arith.constant 0 : i32
        %ge3A_74 = vector.broadcast %ge3A : i32 to vector<16xi32>
        %ge3A_75 = arith.cmpi sge, %get3A_73, %ge3A_74 : vector<16xi32>
        %get3A_76 = arith.index_cast %mul3A_71 : i32 to index
        %get3A_77 = tpu.vector_load %arg12[%get3A_76] {strides = array<i32>} : memref<128xi32, #tpu.memory_space<vmem>>, vector<16xi32>,
        %get3A_78 = vector.shape_cast %get3A_77 : vector<16xi32> to vector<16xi32>
        %eq3A = arith.cmpi eq, %get3A_78, %get3A_73 : vector<16xi32>
        %and3A_79 = arith.andi %ge3A_75, %eq3A : vector<16xi1>
        %get3A_80 = arith.index_cast %mul3A_71 : i32 to index
        %get3A_81 = tpu.vector_load %arg11[%get3A_80] {strides = array<i32>} : memref<128xi32, #tpu.memory_space<vmem>>, vector<16xi32>,
        %get3A_82 = vector.shape_cast %get3A_81 : vector<16xi32> to vector<16xi32>
        %mul3A_83 = arith.constant 2048 : i32
        %mul3A_84 = arith.muli %select_n3A, %mul3A_83 : i32
        %broadcast_in_dim3A = vector.broadcast %mul3A_84 : i32 to vector<16xi32>
        %select_n3A_85 = arith.select %and3A_79, %get3A_82, %broadcast_in_dim3A : vector<16xi1>, vector<16xi32>
        %swap3A = arith.index_cast %mul3A_71 : i32 to index
        %swap3A_86 = tpu.vector_load %arg13[%swap3A] {strides = array<i32>} : memref<128xi32, #tpu.memory_space<vmem>>, vector<16xi32>,
        %swap3A_87 = vector.shape_cast %swap3A_86 : vector<16xi32> to vector<16xi32>
        %swap3A_88 = vector.shape_cast %select_n3A_85 : vector<16xi32> to vector<16xi32>
        tpu.vector_store %arg13[%swap3A], %swap3A_88 {strides = array<i32>} : memref<128xi32, #tpu.memory_space<vmem>>, vector<16xi32>,
        %jit3A_89 = arith.constant 1 : i32
        %jit3A_90 = arith.constant 0 : i32
        %broadcast_in_dim3A_91 = vector.broadcast %jit3A_89 : i32 to vector<16xi32>
        %broadcast_in_dim3A_92 = vector.broadcast %jit3A_90 : i32 to vector<16xi32>
        %select_n3A_93 = arith.select %and3A_79, %broadcast_in_dim3A_91, %broadcast_in_dim3A_92 : vector<16xi1>, vector<16xi32>
        %swap3A_94 = arith.index_cast %mul3A_71 : i32 to index
        %swap3A_95 = tpu.vector_load %arg14[%swap3A_94] {strides = array<i32>} : memref<128xi32, #tpu.memory_space<vmem>>, vector<16xi32>,
        %swap3A_96 = vector.shape_cast %swap3A_95 : vector<16xi32> to vector<16xi32>
        %swap3A_97 = vector.shape_cast %select_n3A_93 : vector<16xi32> to vector<16xi32>
        tpu.vector_store %arg14[%swap3A_94], %swap3A_97 {strides = array<i32>} : memref<128xi32, #tpu.memory_space<vmem>>, vector<16xi32>,
        %scan3A_98 = arith.constant 0 : i32
        scf.yield %scan3A_98 : i32
      }
      %scan3A_58 = arith.constant 8 : i32
      %dma_start3A_59 = arith.constant 0 : i32
      %dma_start3A_60 = arith.constant 0 : i32
      %dma_start3A_61 = arith.constant 0 : i32
      %dma_start3A_62 = tpu.memref_slice %arg5[%dma_start3A_59, %dma_start3A_60, %dma_start3A_61] : memref<4096x2x128xi32, #tpu.memory_space<hbm>> -> memref<4096x2x128xi32, #tpu.memory_space<hbm>>
      tpu.enqueue_indirect_dma source(%dma_start3A_62 : memref<4096x2x128xi32, #tpu.memory_space<hbm>>) target(%arg15 : memref<128x2x128xi32, #tpu.memory_space<vmem>>) offsets(%arg13 : memref<128xi32, #tpu.memory_space<vmem>>) semaphore(%arg16 : memref<!tpu.dma_semaphore, #tpu.memory_space<semaphore_mem>>)
      %dma_wait3A_63 = arith.constant 0 : i32
      %dma_wait3A_64 = arith.constant 0 : i32
      %dma_wait3A_65 = arith.constant 0 : i32
      %dma_wait3A_66 = tpu.memref_slice %arg5[%dma_wait3A_63, %dma_wait3A_64, %dma_wait3A_65] : memref<4096x2x128xi32, #tpu.memory_space<hbm>> -> memref<4096x2x128xi32, #tpu.memory_space<hbm>>
      tpu.wait_indirect_dma semaphore(%arg16 : memref<!tpu.dma_semaphore, #tpu.memory_space<semaphore_mem>>) src(%dma_wait3A_66 : memref<4096x2x128xi32, #tpu.memory_space<hbm>>) dst(%arg15 : memref<128x2x128xi32, #tpu.memory_space<vmem>>)
      "tpu.region"() ({
        %run_scoped3A = tpu.sem_alloc : memref<!tpu.dma_semaphore, #tpu.memory_space<semaphore_mem>>
        %dma_start3A_68 = arith.constant 0 : i32
        %dma_start3A_69 = arith.constant 0 : i32
        %dma_start3A_70 = tpu.memref_slice %arg6[%add3A_31, %dma_start3A_68, %dma_start3A_69] : memref<110592x2x128xi32, #tpu.memory_space<hbm>> -> memref<128x2x128xi32, #tpu.memory_space<hbm>>
        %dma_start3A_71 = arith.constant 0 : i32
        %dma_start3A_72 = arith.constant 0 : i32
        %dma_start3A_73 = tpu.memref_slice %arg6[%add3A_31, %dma_start3A_71, %dma_start3A_72] : memref<110592x2x128xi32, #tpu.memory_space<hbm>> -> memref<128x2x128xi32, #tpu.memory_space<hbm>>
        tpu.enqueue_dma source(%arg15 : memref<128x2x128xi32, #tpu.memory_space<vmem>>) target(%dma_start3A_73 : memref<128x2x128xi32, #tpu.memory_space<hbm>>) target_semaphore(%run_scoped3A : memref<!tpu.dma_semaphore, #tpu.memory_space<semaphore_mem>>)
        %dma_wait3A_74 = arith.constant 0 : i32
        %dma_wait3A_75 = arith.constant 0 : i32
        %dma_wait3A_76 = tpu.memref_slice %arg6[%add3A_31, %dma_wait3A_74, %dma_wait3A_75] : memref<110592x2x128xi32, #tpu.memory_space<hbm>> -> memref<128x2x128xi32, #tpu.memory_space<hbm>>
        %dma_wait3A_77 = arith.constant 0 : i32
        %dma_wait3A_78 = arith.constant 0 : i32
        %dma_wait3A_79 = tpu.memref_slice %arg6[%add3A_31, %dma_wait3A_77, %dma_wait3A_78] : memref<110592x2x128xi32, #tpu.memory_space<hbm>> -> memref<128x2x128xi32, #tpu.memory_space<hbm>>
        tpu.wait_dma2 semaphore(%run_scoped3A : memref<!tpu.dma_semaphore, #tpu.memory_space<semaphore_mem>>) src(%arg15 : memref<128x2x128xi32, #tpu.memory_space<vmem>>) dst(%dma_wait3A_79 : memref<128x2x128xi32, #tpu.memory_space<hbm>>)
        tpu.yield
      }) : () -> ()
      "tpu.region"() ({
        %run_scoped3A = tpu.sem_alloc : memref<!tpu.dma_semaphore, #tpu.memory_space<semaphore_mem>>
        %dma_start3A_68 = tpu.memref_slice %arg7[%add3A_31] : memref<110592xi32, #tpu.memory_space<hbm>> -> memref<128xi32, #tpu.memory_space<hbm>>
        %dma_start3A_69 = tpu.memref_slice %arg7[%add3A_31] : memref<110592xi32, #tpu.memory_space<hbm>> -> memref<128xi32, #tpu.memory_space<hbm>>
        tpu.enqueue_dma source(%arg14 : memref<128xi32, #tpu.memory_space<vmem>>) target(%dma_start3A_69 : memref<128xi32, #tpu.memory_space<hbm>>) target_semaphore(%run_scoped3A : memref<!tpu.dma_semaphore, #tpu.memory_space<semaphore_mem>>)
        %dma_wait3A_70 = tpu.memref_slice %arg7[%add3A_31] : memref<110592xi32, #tpu.memory_space<hbm>> -> memref<128xi32, #tpu.memory_space<hbm>>
        %dma_wait3A_71 = tpu.memref_slice %arg7[%add3A_31] : memref<110592xi32, #tpu.memory_space<hbm>> -> memref<128xi32, #tpu.memory_space<hbm>>
        tpu.wait_dma2 semaphore(%run_scoped3A : memref<!tpu.dma_semaphore, #tpu.memory_space<semaphore_mem>>) src(%arg14 : memref<128xi32, #tpu.memory_space<vmem>>) dst(%dma_wait3A_71 : memref<128xi32, #tpu.memory_space<hbm>>)
        tpu.yield
      }) : () -> ()
      %scan3A_67 = arith.constant 0 : i32
      scf.yield %scan3A_67 : i32
    }
    %scan3A_24 = arith.constant 27 : i32
    return
  }
}

module attributes {stable_mosaic.version = 14 : i64} {
  func.func @_ka_body(%arg0: i32, %arg1: i32, %arg2: memref<3x27xi32, #tpu.memory_space<vmem>>, %arg3: memref<32x8xf32, #tpu.memory_space<vmem>>, %arg4: memref<1x256x128xf32, #tpu.memory_space<vmem>>, %arg5: memref<1x256x3xf32, #tpu.memory_space<vmem>>, %arg6: memref<128x256xf32, #tpu.memory_space<vmem>>, %arg7: memref<1x256xf32, #tpu.memory_space<vmem>>, %arg8: memref<256x256xf32, #tpu.memory_space<vmem>>, %arg9: memref<1x256xf32, #tpu.memory_space<vmem>>, %arg10: memref<8x128xf32, #tpu.memory_space<vmem>>, %arg11: memref<1x128xf32, #tpu.memory_space<vmem>>, %arg12: memref<128x256xf32, #tpu.memory_space<vmem>>, %arg13: memref<1x256xf32, #tpu.memory_space<vmem>>, %arg14: memref<256x256xf32, #tpu.memory_space<vmem>>, %arg15: memref<1x256xf32, #tpu.memory_space<vmem>>, %arg16: memref<256x256xf32, #tpu.memory_space<vmem>>, %arg17: memref<1x256xf32, #tpu.memory_space<vmem>>, %arg18: memref<1x256x256xf32, #tpu.memory_space<vmem>>, %arg19: memref<1x256x256xf32, #tpu.memory_space<vmem>>, %arg20: memref<1x256x27xi32, #tpu.memory_space<vmem>>, %arg21: memref<32x256xf32, #tpu.memory_space<vmem>>, %arg22: memref<32x256xf32, #tpu.memory_space<vmem>>) attributes {dimension_semantics = [#tpu.dimension_semantics<arbitrary>, #tpu.dimension_semantics<arbitrary>], iteration_bounds = array<i64: 2, 8>, scalar_prefetch = 0 : i64, scratch_operands = 0 : i64, tpu.core_type = #tpu.core_type<tc>, window_params = [{pipeline_mode = #tpu.pipeline_mode<synchronous>, transform_indices = @transform_0, window_bounds = array<i64: 3, 27>}, {pipeline_mode = #tpu.pipeline_mode<synchronous>, transform_indices = @transform_1, window_bounds = array<i64: 32, 8>}, {transform_indices = @transform_2, window_bounds = array<i64: 1, 256, 128>}, {transform_indices = @transform_3, window_bounds = array<i64: 1, 256, 3>}, {pipeline_mode = #tpu.pipeline_mode<synchronous>, transform_indices = @transform_4, window_bounds = array<i64: 128, 256>}, {pipeline_mode = #tpu.pipeline_mode<synchronous>, transform_indices = @transform_5, window_bounds = array<i64: 1, 256>}, {pipeline_mode = #tpu.pipeline_mode<synchronous>, transform_indices = @transform_6, window_bounds = array<i64: 256, 256>}, {pipeline_mode = #tpu.pipeline_mode<synchronous>, transform_indices = @transform_7, window_bounds = array<i64: 1, 256>}, {pipeline_mode = #tpu.pipeline_mode<synchronous>, transform_indices = @transform_8, window_bounds = array<i64: 8, 128>}, {pipeline_mode = #tpu.pipeline_mode<synchronous>, transform_indices = @transform_9, window_bounds = array<i64: 1, 128>}, {pipeline_mode = #tpu.pipeline_mode<synchronous>, transform_indices = @transform_10, window_bounds = array<i64: 128, 256>}, {pipeline_mode = #tpu.pipeline_mode<synchronous>, transform_indices = @transform_11, window_bounds = array<i64: 1, 256>}, {pipeline_mode = #tpu.pipeline_mode<synchronous>, transform_indices = @transform_12, window_bounds = array<i64: 256, 256>}, {pipeline_mode = #tpu.pipeline_mode<synchronous>, transform_indices = @transform_13, window_bounds = array<i64: 1, 256>}, {pipeline_mode = #tpu.pipeline_mode<synchronous>, transform_indices = @transform_14, window_bounds = array<i64: 256, 256>}, {pipeline_mode = #tpu.pipeline_mode<synchronous>, transform_indices = @transform_15, window_bounds = array<i64: 1, 256>}, {transform_indices = @transform_16, window_bounds = array<i64: 1, 256, 256>}, {transform_indices = @transform_17, window_bounds = array<i64: 1, 256, 256>}, {transform_indices = @transform_18, window_bounds = array<i64: 1, 256, 27>}, {pipeline_mode = #tpu.pipeline_mode<synchronous>, transform_indices = @transform_19, window_bounds = array<i64: 32, 256>}, {pipeline_mode = #tpu.pipeline_mode<synchronous>, transform_indices = @transform_20, window_bounds = array<i64: 32, 256>}]} {
    %get3A = arith.constant 0 : index
    %get3A_0 = arith.constant 0 : index
    %get3A_1 = arith.constant 0 : index
    %get3A_2 = vector.load %arg4[%get3A, %get3A_0, %get3A_1] : memref<1x256x128xf32, #tpu.memory_space<vmem>>, vector<1x256x128xf32>
    %get3A_3 = vector.shape_cast %get3A_2 : vector<1x256x128xf32> to vector<256x128xf32>
    %get3A_4 = arith.constant 0 : index
    %get3A_5 = arith.constant 0 : index
    %get3A_6 = vector.load %arg6[%get3A_4, %get3A_5] : memref<128x256xf32, #tpu.memory_space<vmem>>, vector<128x256xf32>
    %dot_general3A = arith.constant dense<0.000000e+00> : vector<256x256xf32>
    %dot_general3A_7 = tpu.matmul %get3A_3, %get3A_6, %dot_general3A {dimension_numbers = #tpu.dot_dimension_numbers<[1], [0], [0], [1], [0, 0, 1, 1], [], []>, transpose_lhs_hint = false} : vector<256x128xf32>, vector<128x256xf32>, vector<256x256xf32> -> vector<256x256xf32>
    %get3A_8 = arith.constant 0 : index
    %get3A_9 = arith.constant 0 : index
    %get3A_10 = vector.load %arg7[%get3A_8, %get3A_9] : memref<1x256xf32, #tpu.memory_space<vmem>>, vector<1x256xf32>
    %add3A = vector.broadcast %get3A_10 : vector<1x256xf32> to vector<256x256xf32>
    %add3A_11 = arith.addf %dot_general3A_7, %add3A : vector<256x256xf32>
    %swap3A = arith.constant 0 : index
    %swap3A_12 = arith.constant 0 : index
    %swap3A_13 = arith.constant 0 : index
    %swap3A_14 = vector.load %arg18[%swap3A, %swap3A_12, %swap3A_13] : memref<1x256x256xf32, #tpu.memory_space<vmem>>, vector<1x256x256xf32>
    %swap3A_15 = vector.shape_cast %swap3A_14 : vector<1x256x256xf32> to vector<256x256xf32>
    %swap3A_16 = vector.shape_cast %add3A_11 : vector<256x256xf32> to vector<1x256x256xf32>
    tpu.vector_store %arg18[%swap3A, %swap3A_12, %swap3A_13], %swap3A_16 {strides = array<i32>} : memref<1x256x256xf32, #tpu.memory_space<vmem>>, vector<1x256x256xf32>,
    %get3A_17 = arith.constant 0 : index
    %get3A_18 = arith.constant 0 : index
    %get3A_19 = vector.load %arg8[%get3A_17, %get3A_18] : memref<256x256xf32, #tpu.memory_space<vmem>>, vector<256x256xf32>
    %dot_general3A_20 = arith.constant dense<0.000000e+00> : vector<256x256xf32>
    %dot_general3A_21 = tpu.matmul %add3A_11, %get3A_19, %dot_general3A_20 {dimension_numbers = #tpu.dot_dimension_numbers<[1], [0], [0], [1], [0, 0, 1, 1], [], []>, transpose_lhs_hint = false} : vector<256x256xf32>, vector<256x256xf32>, vector<256x256xf32> -> vector<256x256xf32>
    %get3A_22 = arith.constant 0 : index
    %get3A_23 = arith.constant 0 : index
    %get3A_24 = vector.load %arg9[%get3A_22, %get3A_23] : memref<1x256xf32, #tpu.memory_space<vmem>>, vector<1x256xf32>
    %add3A_25 = vector.broadcast %get3A_24 : vector<1x256xf32> to vector<256x256xf32>
    %add3A_26 = arith.addf %dot_general3A_21, %add3A_25 : vector<256x256xf32>
    %swap3A_27 = arith.constant 0 : index
    %swap3A_28 = arith.constant 0 : index
    %swap3A_29 = arith.constant 0 : index
    %swap3A_30 = vector.load %arg19[%swap3A_27, %swap3A_28, %swap3A_29] : memref<1x256x256xf32, #tpu.memory_space<vmem>>, vector<1x256x256xf32>
    %swap3A_31 = vector.shape_cast %swap3A_30 : vector<1x256x256xf32> to vector<256x256xf32>
    %swap3A_32 = vector.shape_cast %add3A_26 : vector<256x256xf32> to vector<1x256x256xf32>
    tpu.vector_store %arg19[%swap3A_27, %swap3A_28, %swap3A_29], %swap3A_32 {strides = array<i32>} : memref<1x256x256xf32, #tpu.memory_space<vmem>>, vector<1x256x256xf32>,
    %get3A_33 = arith.constant 0 : index
    %get3A_34 = arith.constant 0 : index
    %get3A_35 = arith.constant 0 : index
    %get3A_36 = vector.load %arg5[%get3A_33, %get3A_34, %get3A_35] : memref<1x256x3xf32, #tpu.memory_space<vmem>>, vector<1x256x3xf32>
    %get3A_37 = vector.shape_cast %get3A_36 : vector<1x256x3xf32> to vector<256x3xf32>
    %slice3A = vector.extract_strided_slice %get3A_37 {offsets = [0, 0], sizes = [256, 1], strides = [1, 1]} : vector<256x3xf32> to vector<256x1xf32>
    %div3A = arith.constant 2.560000e+02 : f32
    %div3A_38 = vector.broadcast %div3A : f32 to vector<256x1xf32>
    %div3A_39 = arith.divf %slice3A, %div3A_38 : vector<256x1xf32>
    %jit3A = arith.constant 0.000000e+00 : f32
    %jit3A_40 = arith.constant 1.000000e+00 : f32
    %max3A = vector.broadcast %jit3A : f32 to vector<256x1xf32>
    %max3A_41 = arith.maximumf %max3A, %div3A_39 : vector<256x1xf32>
    %min3A = vector.broadcast %jit3A_40 : f32 to vector<256x1xf32>
    %min3A_42 = arith.minimumf %min3A, %max3A_41 : vector<256x1xf32>
    %mul3A = arith.constant 1.270000e+02 : f32
    %mul3A_43 = vector.broadcast %mul3A : f32 to vector<256x1xf32>
    %mul3A_44 = arith.mulf %min3A_42, %mul3A_43 : vector<256x1xf32>
    %convert_element_type3A = arith.fptosi %mul3A_44 : vector<256x1xf32> to vector<256x1xi32>
    %slice3A_45 = vector.extract_strided_slice %get3A_37 {offsets = [0, 1], sizes = [256, 1], strides = [1, 1]} : vector<256x3xf32> to vector<256x1xf32>
    %div3A_46 = arith.constant 2.560000e+02 : f32
    %div3A_47 = vector.broadcast %div3A_46 : f32 to vector<256x1xf32>
    %div3A_48 = arith.divf %slice3A_45, %div3A_47 : vector<256x1xf32>
    %jit3A_49 = arith.constant 0.000000e+00 : f32
    %jit3A_50 = arith.constant 1.000000e+00 : f32
    %max3A_51 = vector.broadcast %jit3A_49 : f32 to vector<256x1xf32>
    %max3A_52 = arith.maximumf %max3A_51, %div3A_48 : vector<256x1xf32>
    %min3A_53 = vector.broadcast %jit3A_50 : f32 to vector<256x1xf32>
    %min3A_54 = arith.minimumf %min3A_53, %max3A_52 : vector<256x1xf32>
    %mul3A_55 = arith.constant 1.270000e+02 : f32
    %mul3A_56 = vector.broadcast %mul3A_55 : f32 to vector<256x1xf32>
    %mul3A_57 = arith.mulf %min3A_54, %mul3A_56 : vector<256x1xf32>
    %convert_element_type3A_58 = arith.fptosi %mul3A_57 : vector<256x1xf32> to vector<256x1xi32>
    %slice3A_59 = vector.extract_strided_slice %get3A_37 {offsets = [0, 2], sizes = [256, 1], strides = [1, 1]} : vector<256x3xf32> to vector<256x1xf32>
    %jit3A_60 = arith.constant 0.000000e+00 : f32
    %jit3A_61 = arith.constant 1.000000e+00 : f32
    %max3A_62 = vector.broadcast %jit3A_60 : f32 to vector<256x1xf32>
    %max3A_63 = arith.maximumf %max3A_62, %slice3A_59 : vector<256x1xf32>
    %min3A_64 = vector.broadcast %jit3A_61 : f32 to vector<256x1xf32>
    %min3A_65 = arith.minimumf %min3A_64, %max3A_63 : vector<256x1xf32>
    %mul3A_66 = arith.constant 1.990000e+02 : f32
    %mul3A_67 = vector.broadcast %mul3A_66 : f32 to vector<256x1xf32>
    %mul3A_68 = arith.mulf %min3A_65, %mul3A_67 : vector<256x1xf32>
    %convert_element_type3A_69 = arith.fptosi %mul3A_68 : vector<256x1xf32> to vector<256x1xi32>
    %get3A_70 = arith.constant 0 : index
    %get3A_71 = arith.constant 0 : index
    %get3A_72 = vector.load %arg2[%get3A_70, %get3A_71] : memref<3x27xi32, #tpu.memory_space<vmem>>, vector<3x27xi32>
    %slice3A_73 = vector.extract_strided_slice %get3A_72 {offsets = [0, 0], sizes = [1, 27], strides = [1, 1]} : vector<3x27xi32> to vector<1x27xi32>
    %add3A_74 = vector.broadcast %convert_element_type3A : vector<256x1xi32> to vector<256x27xi32>
    %add3A_75 = vector.broadcast %slice3A_73 : vector<1x27xi32> to vector<256x27xi32>
    %add3A_76 = arith.addi %add3A_74, %add3A_75 : vector<256x27xi32>
    %slice3A_77 = vector.extract_strided_slice %get3A_72 {offsets = [1, 0], sizes = [1, 27], strides = [1, 1]} : vector<3x27xi32> to vector<1x27xi32>
    %add3A_78 = vector.broadcast %convert_element_type3A_58 : vector<256x1xi32> to vector<256x27xi32>
    %add3A_79 = vector.broadcast %slice3A_77 : vector<1x27xi32> to vector<256x27xi32>
    %add3A_80 = arith.addi %add3A_78, %add3A_79 : vector<256x27xi32>
    %slice3A_81 = vector.extract_strided_slice %get3A_72 {offsets = [2, 0], sizes = [1, 27], strides = [1, 1]} : vector<3x27xi32> to vector<1x27xi32>
    %add3A_82 = vector.broadcast %convert_element_type3A_69 : vector<256x1xi32> to vector<256x27xi32>
    %add3A_83 = vector.broadcast %slice3A_81 : vector<1x27xi32> to vector<256x27xi32>
    %add3A_84 = arith.addi %add3A_82, %add3A_83 : vector<256x27xi32>
    %ge3A = arith.constant 0 : i32
    %ge3A_85 = vector.broadcast %ge3A : i32 to vector<256x27xi32>
    %ge3A_86 = arith.cmpi sge, %add3A_76, %ge3A_85 : vector<256x27xi32>
    %lt3A = arith.constant 128 : i32
    %lt3A_87 = vector.broadcast %lt3A : i32 to vector<256x27xi32>
    %lt3A_88 = arith.cmpi slt, %add3A_76, %lt3A_87 : vector<256x27xi32>
    %and3A = arith.andi %ge3A_86, %lt3A_88 : vector<256x27xi1>
    %ge3A_89 = arith.constant 0 : i32
    %ge3A_90 = vector.broadcast %ge3A_89 : i32 to vector<256x27xi32>
    %ge3A_91 = arith.cmpi sge, %add3A_80, %ge3A_90 : vector<256x27xi32>
    %and3A_92 = arith.andi %and3A, %ge3A_91 : vector<256x27xi1>
    %lt3A_93 = arith.constant 128 : i32
    %lt3A_94 = vector.broadcast %lt3A_93 : i32 to vector<256x27xi32>
    %lt3A_95 = arith.cmpi slt, %add3A_80, %lt3A_94 : vector<256x27xi32>
    %and3A_96 = arith.andi %and3A_92, %lt3A_95 : vector<256x27xi1>
    %ge3A_97 = arith.constant 0 : i32
    %ge3A_98 = vector.broadcast %ge3A_97 : i32 to vector<256x27xi32>
    %ge3A_99 = arith.cmpi sge, %add3A_84, %ge3A_98 : vector<256x27xi32>
    %and3A_100 = arith.andi %and3A_96, %ge3A_99 : vector<256x27xi1>
    %lt3A_101 = arith.constant 200 : i32
    %lt3A_102 = vector.broadcast %lt3A_101 : i32 to vector<256x27xi32>
    %lt3A_103 = arith.cmpi slt, %add3A_84, %lt3A_102 : vector<256x27xi32>
    %and3A_104 = arith.andi %and3A_100, %lt3A_103 : vector<256x27xi1>
    %mul3A_105 = arith.constant 25600 : i32
    %mul3A_106 = vector.broadcast %mul3A_105 : i32 to vector<256x27xi32>
    %mul3A_107 = arith.muli %add3A_76, %mul3A_106 : vector<256x27xi32>
    %mul3A_108 = arith.constant 200 : i32
    %mul3A_109 = vector.broadcast %mul3A_108 : i32 to vector<256x27xi32>
    %mul3A_110 = arith.muli %add3A_80, %mul3A_109 : vector<256x27xi32>
    %add3A_111 = arith.addi %mul3A_107, %mul3A_110 : vector<256x27xi32>
    %add3A_112 = arith.addi %add3A_111, %add3A_84 : vector<256x27xi32>
    %jit3A_113 = arith.constant -1 : i32
    %broadcast_in_dim3A = vector.broadcast %jit3A_113 : i32 to vector<256x27xi32>
    %select_n3A = arith.select %and3A_104, %add3A_112, %broadcast_in_dim3A : vector<256x27xi1>, vector<256x27xi32>
    %swap3A_114 = arith.constant 0 : index
    %swap3A_115 = arith.constant 0 : index
    %swap3A_116 = arith.constant 0 : index
    %swap3A_117 = vector.load %arg20[%swap3A_114, %swap3A_115, %swap3A_116] : memref<1x256x27xi32, #tpu.memory_space<vmem>>, vector<1x256x27xi32>
    %swap3A_118 = vector.shape_cast %swap3A_117 : vector<1x256x27xi32> to vector<256x27xi32>
    %swap3A_119 = vector.shape_cast %select_n3A : vector<256x27xi32> to vector<1x256x27xi32>
    tpu.vector_store %arg20[%swap3A_114, %swap3A_115, %swap3A_116], %swap3A_119 {strides = array<i32>} : memref<1x256x27xi32, #tpu.memory_space<vmem>>, vector<1x256x27xi32>,
    %eq3A = arith.constant 0 : i32
    %eq3A_120 = arith.cmpi eq, %arg0, %eq3A : i32
    %eq3A_121 = arith.constant 0 : i32
    %eq3A_122 = arith.cmpi eq, %arg1, %eq3A_121 : i32
    %and3A_123 = arith.andi %eq3A_120, %eq3A_122 : i1
    %convert_element_type3A_124 = arith.extui %and3A_123 : i1 to i32
    %cond3A = arith.constant 0 : i32
    %cond3A_125 = arith.cmpi ne, %convert_element_type3A_124, %cond3A : i32
    scf.if %cond3A_125 {
      %get3A_126 = arith.constant 0 : index
      %get3A_127 = arith.constant 0 : index
      %get3A_128 = vector.load %arg3[%get3A_126, %get3A_127] : memref<32x8xf32, #tpu.memory_space<vmem>>, vector<32x8xf32>
      %get3A_129 = arith.constant 0 : index
      %get3A_130 = arith.constant 0 : index
      %get3A_131 = vector.load %arg10[%get3A_129, %get3A_130] : memref<8x128xf32, #tpu.memory_space<vmem>>, vector<8x128xf32>
      %dot_general3A_132 = arith.constant dense<0.000000e+00> : vector<32x128xf32>
      %dot_general3A_133 = tpu.matmul %get3A_128, %get3A_131, %dot_general3A_132 {dimension_numbers = #tpu.dot_dimension_numbers<[1], [0], [0], [1], [0, 0, 1, 1], [], []>, transpose_lhs_hint = false} : vector<32x8xf32>, vector<8x128xf32>, vector<32x128xf32> -> vector<32x128xf32>
      %get3A_134 = arith.constant 0 : index
      %get3A_135 = arith.constant 0 : index
      %get3A_136 = vector.load %arg11[%get3A_134, %get3A_135] : memref<1x128xf32, #tpu.memory_space<vmem>>, vector<1x128xf32>
      %add3A_137 = vector.broadcast %get3A_136 : vector<1x128xf32> to vector<32x128xf32>
      %add3A_138 = arith.addf %dot_general3A_133, %add3A_137 : vector<32x128xf32>
      %max3A_139 = arith.constant 0.000000e+00 : f32
      %max3A_140 = vector.broadcast %max3A_139 : f32 to vector<32x128xf32>
      %max3A_141 = arith.maximumf %add3A_138, %max3A_140 : vector<32x128xf32>
      %get3A_142 = arith.constant 0 : index
      %get3A_143 = arith.constant 0 : index
      %get3A_144 = vector.load %arg12[%get3A_142, %get3A_143] : memref<128x256xf32, #tpu.memory_space<vmem>>, vector<128x256xf32>
      %dot_general3A_145 = arith.constant dense<0.000000e+00> : vector<32x256xf32>
      %dot_general3A_146 = tpu.matmul %max3A_141, %get3A_144, %dot_general3A_145 {dimension_numbers = #tpu.dot_dimension_numbers<[1], [0], [0], [1], [0, 0, 1, 1], [], []>, transpose_lhs_hint = false} : vector<32x128xf32>, vector<128x256xf32>, vector<32x256xf32> -> vector<32x256xf32>
      %get3A_147 = arith.constant 0 : index
      %get3A_148 = arith.constant 0 : index
      %get3A_149 = vector.load %arg13[%get3A_147, %get3A_148] : memref<1x256xf32, #tpu.memory_space<vmem>>, vector<1x256xf32>
      %add3A_150 = vector.broadcast %get3A_149 : vector<1x256xf32> to vector<32x256xf32>
      %add3A_151 = arith.addf %dot_general3A_146, %add3A_150 : vector<32x256xf32>
      %get3A_152 = arith.constant 0 : index
      %get3A_153 = arith.constant 0 : index
      %get3A_154 = vector.load %arg14[%get3A_152, %get3A_153] : memref<256x256xf32, #tpu.memory_space<vmem>>, vector<256x256xf32>
      %dot_general3A_155 = arith.constant dense<0.000000e+00> : vector<32x256xf32>
      %dot_general3A_156 = tpu.matmul %add3A_151, %get3A_154, %dot_general3A_155 {dimension_numbers = #tpu.dot_dimension_numbers<[1], [0], [0], [1], [0, 0, 1, 1], [], []>, transpose_lhs_hint = false} : vector<32x256xf32>, vector<256x256xf32>, vector<32x256xf32> -> vector<32x256xf32>
      %get3A_157 = arith.constant 0 : index
      %get3A_158 = arith.constant 0 : index
      %get3A_159 = vector.load %arg15[%get3A_157, %get3A_158] : memref<1x256xf32, #tpu.memory_space<vmem>>, vector<1x256xf32>
      %add3A_160 = vector.broadcast %get3A_159 : vector<1x256xf32> to vector<32x256xf32>
      %add3A_161 = arith.addf %dot_general3A_156, %add3A_160 : vector<32x256xf32>
      %swap3A_162 = arith.constant 0 : index
      %swap3A_163 = arith.constant 0 : index
      %swap3A_164 = vector.load %arg21[%swap3A_162, %swap3A_163] : memref<32x256xf32, #tpu.memory_space<vmem>>, vector<32x256xf32>
      tpu.vector_store %arg21[%swap3A_162, %swap3A_163], %add3A_161 {strides = array<i32>} : memref<32x256xf32, #tpu.memory_space<vmem>>, vector<32x256xf32>,
      %get3A_165 = arith.constant 0 : index
      %get3A_166 = arith.constant 0 : index
      %get3A_167 = vector.load %arg16[%get3A_165, %get3A_166] : memref<256x256xf32, #tpu.memory_space<vmem>>, vector<256x256xf32>
      %dot_general3A_168 = arith.constant dense<0.000000e+00> : vector<32x256xf32>
      %dot_general3A_169 = tpu.matmul %add3A_151, %get3A_167, %dot_general3A_168 {dimension_numbers = #tpu.dot_dimension_numbers<[1], [0], [0], [1], [0, 0, 1, 1], [], []>, transpose_lhs_hint = false} : vector<32x256xf32>, vector<256x256xf32>, vector<32x256xf32> -> vector<32x256xf32>
      %get3A_170 = arith.constant 0 : index
      %get3A_171 = arith.constant 0 : index
      %get3A_172 = vector.load %arg17[%get3A_170, %get3A_171] : memref<1x256xf32, #tpu.memory_space<vmem>>, vector<1x256xf32>
      %add3A_173 = vector.broadcast %get3A_172 : vector<1x256xf32> to vector<32x256xf32>
      %add3A_174 = arith.addf %dot_general3A_169, %add3A_173 : vector<32x256xf32>
      %swap3A_175 = arith.constant 0 : index
      %swap3A_176 = arith.constant 0 : index
      %swap3A_177 = vector.load %arg22[%swap3A_175, %swap3A_176] : memref<32x256xf32, #tpu.memory_space<vmem>>, vector<32x256xf32>
      tpu.vector_store %arg22[%swap3A_175, %swap3A_176], %add3A_174 {strides = array<i32>} : memref<32x256xf32, #tpu.memory_space<vmem>>, vector<32x256xf32>,
    } else {
    }
    return
  }
  func.func @transform_0(%arg0: i32, %arg1: i32) -> (i32, i32) {
    %c0_i32 = arith.constant 0 : i32
    %c0_i32_0 = arith.constant 0 : i32
    %c0_i32_1 = arith.constant 0 : i32
    return %c0_i32, %c0_i32_0 : i32, i32
  }
  func.func @transform_1(%arg0: i32, %arg1: i32) -> (i32, i32) {
    %c0_i32 = arith.constant 0 : i32
    %c0_i32_0 = arith.constant 0 : i32
    %c0_i32_1 = arith.constant 0 : i32
    return %c0_i32, %c0_i32_0 : i32, i32
  }
  func.func @transform_2(%arg0: i32, %arg1: i32) -> (i32, i32, i32) {
    %c0_i32 = arith.constant 0 : i32
    %c0_i32_0 = arith.constant 0 : i32
    return %arg0, %arg1, %c0_i32 : i32, i32, i32
  }
  func.func @transform_3(%arg0: i32, %arg1: i32) -> (i32, i32, i32) {
    %c0_i32 = arith.constant 0 : i32
    %c0_i32_0 = arith.constant 0 : i32
    return %arg0, %arg1, %c0_i32 : i32, i32, i32
  }
  func.func @transform_4(%arg0: i32, %arg1: i32) -> (i32, i32) {
    %c0_i32 = arith.constant 0 : i32
    %c0_i32_0 = arith.constant 0 : i32
    %c0_i32_1 = arith.constant 0 : i32
    return %c0_i32, %c0_i32_0 : i32, i32
  }
  func.func @transform_5(%arg0: i32, %arg1: i32) -> (i32, i32) {
    %c0_i32 = arith.constant 0 : i32
    %c0_i32_0 = arith.constant 0 : i32
    %c0_i32_1 = arith.constant 0 : i32
    return %c0_i32, %c0_i32_0 : i32, i32
  }
  func.func @transform_6(%arg0: i32, %arg1: i32) -> (i32, i32) {
    %c0_i32 = arith.constant 0 : i32
    %c0_i32_0 = arith.constant 0 : i32
    %c0_i32_1 = arith.constant 0 : i32
    return %c0_i32, %c0_i32_0 : i32, i32
  }
  func.func @transform_7(%arg0: i32, %arg1: i32) -> (i32, i32) {
    %c0_i32 = arith.constant 0 : i32
    %c0_i32_0 = arith.constant 0 : i32
    %c0_i32_1 = arith.constant 0 : i32
    return %c0_i32, %c0_i32_0 : i32, i32
  }
  func.func @transform_8(%arg0: i32, %arg1: i32) -> (i32, i32) {
    %c0_i32 = arith.constant 0 : i32
    %c0_i32_0 = arith.constant 0 : i32
    %c0_i32_1 = arith.constant 0 : i32
    return %c0_i32, %c0_i32_0 : i32, i32
  }
  func.func @transform_9(%arg0: i32, %arg1: i32) -> (i32, i32) {
    %c0_i32 = arith.constant 0 : i32
    %c0_i32_0 = arith.constant 0 : i32
    %c0_i32_1 = arith.constant 0 : i32
    return %c0_i32, %c0_i32_0 : i32, i32
  }
  func.func @transform_10(%arg0: i32, %arg1: i32) -> (i32, i32) {
    %c0_i32 = arith.constant 0 : i32
    %c0_i32_0 = arith.constant 0 : i32
    %c0_i32_1 = arith.constant 0 : i32
    return %c0_i32, %c0_i32_0 : i32, i32
  }
  func.func @transform_11(%arg0: i32, %arg1: i32) -> (i32, i32) {
    %c0_i32 = arith.constant 0 : i32
    %c0_i32_0 = arith.constant 0 : i32
    %c0_i32_1 = arith.constant 0 : i32
    return %c0_i32, %c0_i32_0 : i32, i32
  }
  func.func @transform_12(%arg0: i32, %arg1: i32) -> (i32, i32) {
    %c0_i32 = arith.constant 0 : i32
    %c0_i32_0 = arith.constant 0 : i32
    %c0_i32_1 = arith.constant 0 : i32
    return %c0_i32, %c0_i32_0 : i32, i32
  }
  func.func @transform_13(%arg0: i32, %arg1: i32) -> (i32, i32) {
    %c0_i32 = arith.constant 0 : i32
    %c0_i32_0 = arith.constant 0 : i32
    %c0_i32_1 = arith.constant 0 : i32
    return %c0_i32, %c0_i32_0 : i32, i32
  }
  func.func @transform_14(%arg0: i32, %arg1: i32) -> (i32, i32) {
    %c0_i32 = arith.constant 0 : i32
    %c0_i32_0 = arith.constant 0 : i32
    %c0_i32_1 = arith.constant 0 : i32
    return %c0_i32, %c0_i32_0 : i32, i32
  }
  func.func @transform_15(%arg0: i32, %arg1: i32) -> (i32, i32) {
    %c0_i32 = arith.constant 0 : i32
    %c0_i32_0 = arith.constant 0 : i32
    %c0_i32_1 = arith.constant 0 : i32
    return %c0_i32, %c0_i32_0 : i32, i32
  }
  func.func @transform_16(%arg0: i32, %arg1: i32) -> (i32, i32, i32) {
    %c0_i32 = arith.constant 0 : i32
    %c0_i32_0 = arith.constant 0 : i32
    return %arg0, %arg1, %c0_i32 : i32, i32, i32
  }
  func.func @transform_17(%arg0: i32, %arg1: i32) -> (i32, i32, i32) {
    %c0_i32 = arith.constant 0 : i32
    %c0_i32_0 = arith.constant 0 : i32
    return %arg0, %arg1, %c0_i32 : i32, i32, i32
  }
  func.func @transform_18(%arg0: i32, %arg1: i32) -> (i32, i32, i32) {
    %c0_i32 = arith.constant 0 : i32
    %c0_i32_0 = arith.constant 0 : i32
    return %arg0, %arg1, %c0_i32 : i32, i32, i32
  }
  func.func @transform_19(%arg0: i32, %arg1: i32) -> (i32, i32) {
    %c0_i32 = arith.constant 0 : i32
    %c0_i32_0 = arith.constant 0 : i32
    %c0_i32_1 = arith.constant 0 : i32
    return %c0_i32, %c0_i32_0 : i32, i32
  }
  func.func @transform_20(%arg0: i32, %arg1: i32) -> (i32, i32) {
    %c0_i32 = arith.constant 0 : i32
    %c0_i32_0 = arith.constant 0 : i32
    %c0_i32_1 = arith.constant 0 : i32
    return %c0_i32, %c0_i32_0 : i32, i32
  }
}

module attributes {stable_mosaic.version = 14 : i64} {
  func.func @_kseg_body(%arg0: i32, %arg1: i32, %arg2: memref<1x2048x1xf32, #tpu.memory_space<vmem>>, %arg3: memref<1x2048x256xf32, #tpu.memory_space<vmem>>, %arg4: memref<1x256x256xf32, #tpu.memory_space<vmem>>, %arg5: memref<1x256x1xf32, #tpu.memory_space<vmem>>) attributes {dimension_semantics = [#tpu.dimension_semantics<arbitrary>, #tpu.dimension_semantics<arbitrary>], iteration_bounds = array<i64: 2, 8>, scalar_prefetch = 0 : i64, scratch_operands = 0 : i64, tpu.core_type = #tpu.core_type<tc>, window_params = [{transform_indices = @transform_0, window_bounds = array<i64: 1, 2048, 1>}, {transform_indices = @transform_1, window_bounds = array<i64: 1, 2048, 256>}, {transform_indices = @transform_2, window_bounds = array<i64: 1, 256, 256>}, {transform_indices = @transform_3, window_bounds = array<i64: 1, 256, 1>}]} {
    %get3A = arith.constant 0 : index
    %get3A_0 = arith.constant 0 : index
    %get3A_1 = arith.constant 0 : index
    %get3A_2 = vector.load %arg2[%get3A, %get3A_0, %get3A_1] : memref<1x2048x1xf32, #tpu.memory_space<vmem>>, vector<1x2048x1xf32>
    %get3A_3 = vector.shape_cast %get3A_2 : vector<1x2048x1xf32> to vector<2048x1xf32>
    %get3A_4 = arith.constant 0 : index
    %get3A_5 = arith.constant 0 : index
    %get3A_6 = arith.constant 0 : index
    %get3A_7 = vector.load %arg3[%get3A_4, %get3A_5, %get3A_6] : memref<1x2048x256xf32, #tpu.memory_space<vmem>>, vector<1x2048x256xf32>
    %get3A_8 = vector.shape_cast %get3A_7 : vector<1x2048x256xf32> to vector<2048x256xf32>
    %iota3A = tpu.iota {dimensions = array<i32: 1>} : vector<1x256xi32>
    %mul3A = arith.constant 256 : i32
    %mul3A_9 = arith.muli %arg1, %mul3A : i32
    %add3A = vector.broadcast %mul3A_9 : i32 to vector<1x256xi32>
    %add3A_10 = arith.addi %iota3A, %add3A : vector<1x256xi32>
    %convert_element_type3A = arith.sitofp %add3A_10 : vector<1x256xi32> to vector<1x256xf32>
    %broadcast_in_dim3A = arith.constant 0.000000e+00 : f32
    %broadcast_in_dim3A_11 = vector.broadcast %broadcast_in_dim3A : f32 to vector<256x256xf32>
    %broadcast_in_dim3A_12 = arith.constant 0.000000e+00 : f32
    %broadcast_in_dim3A_13 = vector.broadcast %broadcast_in_dim3A_12 : f32 to vector<256x1xf32>
    %broadcast_in_dim3A_14 = arith.constant 1.000000e+00 : f32
    %broadcast_in_dim3A_15 = vector.broadcast %broadcast_in_dim3A_14 : f32 to vector<256x1xf32>
    %slice3A = vector.extract_strided_slice %get3A_3 {offsets = [0, 0], sizes = [256, 1], strides = [1, 1]} : vector<2048x1xf32> to vector<256x1xf32>
    %eq3A = vector.broadcast %slice3A : vector<256x1xf32> to vector<256x256xf32>
    %eq3A_16 = vector.broadcast %convert_element_type3A : vector<1x256xf32> to vector<256x256xf32>
    %eq3A_17 = arith.cmpf oeq, %eq3A, %eq3A_16 : vector<256x256xf32>
    %jit3A = arith.constant 1.000000e+00 : f32
    %jit3A_18 = arith.constant 0.000000e+00 : f32
    %broadcast_in_dim3A_19 = vector.broadcast %jit3A : f32 to vector<256x256xf32>
    %broadcast_in_dim3A_20 = vector.broadcast %jit3A_18 : f32 to vector<256x256xf32>
    %select_n3A = arith.select %eq3A_17, %broadcast_in_dim3A_19, %broadcast_in_dim3A_20 : vector<256x256xi1>, vector<256x256xf32>
    %slice3A_21 = vector.extract_strided_slice %get3A_8 {offsets = [0, 0], sizes = [256, 256], strides = [1, 1]} : vector<2048x256xf32> to vector<256x256xf32>
    %dot_general3A = arith.constant dense<0.000000e+00> : vector<256x256xf32>
    %dot_general3A_22 = tpu.matmul %select_n3A, %slice3A_21, %dot_general3A {dimension_numbers = #tpu.dot_dimension_numbers<[0], [0], [1], [1], [0, 1, 1, 1], [], []>, transpose_lhs_hint = false} : vector<256x256xf32>, vector<256x256xf32>, vector<256x256xf32> -> vector<256x256xf32>
    %add3A_23 = arith.addf %broadcast_in_dim3A_11, %dot_general3A_22 : vector<256x256xf32>
    %dot_general3A_24 = arith.constant dense<0.000000e+00> : vector<256x1xf32>
    %dot_general3A_25 = tpu.matmul %select_n3A, %broadcast_in_dim3A_15, %dot_general3A_24 {dimension_numbers = #tpu.dot_dimension_numbers<[0], [0], [1], [1], [0, 1, 1, 1], [], []>, transpose_lhs_hint = false} : vector<256x256xf32>, vector<256x1xf32>, vector<256x1xf32> -> vector<256x1xf32>
    %add3A_26 = arith.addf %broadcast_in_dim3A_13, %dot_general3A_25 : vector<256x1xf32>
    %slice3A_27 = vector.extract_strided_slice %get3A_3 {offsets = [256, 0], sizes = [256, 1], strides = [1, 1]} : vector<2048x1xf32> to vector<256x1xf32>
    %eq3A_28 = vector.broadcast %slice3A_27 : vector<256x1xf32> to vector<256x256xf32>
    %eq3A_29 = vector.broadcast %convert_element_type3A : vector<1x256xf32> to vector<256x256xf32>
    %eq3A_30 = arith.cmpf oeq, %eq3A_28, %eq3A_29 : vector<256x256xf32>
    %jit3A_31 = arith.constant 1.000000e+00 : f32
    %jit3A_32 = arith.constant 0.000000e+00 : f32
    %broadcast_in_dim3A_33 = vector.broadcast %jit3A_31 : f32 to vector<256x256xf32>
    %broadcast_in_dim3A_34 = vector.broadcast %jit3A_32 : f32 to vector<256x256xf32>
    %select_n3A_35 = arith.select %eq3A_30, %broadcast_in_dim3A_33, %broadcast_in_dim3A_34 : vector<256x256xi1>, vector<256x256xf32>
    %slice3A_36 = vector.extract_strided_slice %get3A_8 {offsets = [256, 0], sizes = [256, 256], strides = [1, 1]} : vector<2048x256xf32> to vector<256x256xf32>
    %dot_general3A_37 = arith.constant dense<0.000000e+00> : vector<256x256xf32>
    %dot_general3A_38 = tpu.matmul %select_n3A_35, %slice3A_36, %dot_general3A_37 {dimension_numbers = #tpu.dot_dimension_numbers<[0], [0], [1], [1], [0, 1, 1, 1], [], []>, transpose_lhs_hint = false} : vector<256x256xf32>, vector<256x256xf32>, vector<256x256xf32> -> vector<256x256xf32>
    %add3A_39 = arith.addf %add3A_23, %dot_general3A_38 : vector<256x256xf32>
    %dot_general3A_40 = arith.constant dense<0.000000e+00> : vector<256x1xf32>
    %dot_general3A_41 = tpu.matmul %select_n3A_35, %broadcast_in_dim3A_15, %dot_general3A_40 {dimension_numbers = #tpu.dot_dimension_numbers<[0], [0], [1], [1], [0, 1, 1, 1], [], []>, transpose_lhs_hint = false} : vector<256x256xf32>, vector<256x1xf32>, vector<256x1xf32> -> vector<256x1xf32>
    %add3A_42 = arith.addf %add3A_26, %dot_general3A_41 : vector<256x1xf32>
    %slice3A_43 = vector.extract_strided_slice %get3A_3 {offsets = [512, 0], sizes = [256, 1], strides = [1, 1]} : vector<2048x1xf32> to vector<256x1xf32>
    %eq3A_44 = vector.broadcast %slice3A_43 : vector<256x1xf32> to vector<256x256xf32>
    %eq3A_45 = vector.broadcast %convert_element_type3A : vector<1x256xf32> to vector<256x256xf32>
    %eq3A_46 = arith.cmpf oeq, %eq3A_44, %eq3A_45 : vector<256x256xf32>
    %jit3A_47 = arith.constant 1.000000e+00 : f32
    %jit3A_48 = arith.constant 0.000000e+00 : f32
    %broadcast_in_dim3A_49 = vector.broadcast %jit3A_47 : f32 to vector<256x256xf32>
    %broadcast_in_dim3A_50 = vector.broadcast %jit3A_48 : f32 to vector<256x256xf32>
    %select_n3A_51 = arith.select %eq3A_46, %broadcast_in_dim3A_49, %broadcast_in_dim3A_50 : vector<256x256xi1>, vector<256x256xf32>
    %slice3A_52 = vector.extract_strided_slice %get3A_8 {offsets = [512, 0], sizes = [256, 256], strides = [1, 1]} : vector<2048x256xf32> to vector<256x256xf32>
    %dot_general3A_53 = arith.constant dense<0.000000e+00> : vector<256x256xf32>
    %dot_general3A_54 = tpu.matmul %select_n3A_51, %slice3A_52, %dot_general3A_53 {dimension_numbers = #tpu.dot_dimension_numbers<[0], [0], [1], [1], [0, 1, 1, 1], [], []>, transpose_lhs_hint = false} : vector<256x256xf32>, vector<256x256xf32>, vector<256x256xf32> -> vector<256x256xf32>
    %add3A_55 = arith.addf %add3A_39, %dot_general3A_54 : vector<256x256xf32>
    %dot_general3A_56 = arith.constant dense<0.000000e+00> : vector<256x1xf32>
    %dot_general3A_57 = tpu.matmul %select_n3A_51, %broadcast_in_dim3A_15, %dot_general3A_56 {dimension_numbers = #tpu.dot_dimension_numbers<[0], [0], [1], [1], [0, 1, 1, 1], [], []>, transpose_lhs_hint = false} : vector<256x256xf32>, vector<256x1xf32>, vector<256x1xf32> -> vector<256x1xf32>
    %add3A_58 = arith.addf %add3A_42, %dot_general3A_57 : vector<256x1xf32>
    %slice3A_59 = vector.extract_strided_slice %get3A_3 {offsets = [768, 0], sizes = [256, 1], strides = [1, 1]} : vector<2048x1xf32> to vector<256x1xf32>
    %eq3A_60 = vector.broadcast %slice3A_59 : vector<256x1xf32> to vector<256x256xf32>
    %eq3A_61 = vector.broadcast %convert_element_type3A : vector<1x256xf32> to vector<256x256xf32>
    %eq3A_62 = arith.cmpf oeq, %eq3A_60, %eq3A_61 : vector<256x256xf32>
    %jit3A_63 = arith.constant 1.000000e+00 : f32
    %jit3A_64 = arith.constant 0.000000e+00 : f32
    %broadcast_in_dim3A_65 = vector.broadcast %jit3A_63 : f32 to vector<256x256xf32>
    %broadcast_in_dim3A_66 = vector.broadcast %jit3A_64 : f32 to vector<256x256xf32>
    %select_n3A_67 = arith.select %eq3A_62, %broadcast_in_dim3A_65, %broadcast_in_dim3A_66 : vector<256x256xi1>, vector<256x256xf32>
    %slice3A_68 = vector.extract_strided_slice %get3A_8 {offsets = [768, 0], sizes = [256, 256], strides = [1, 1]} : vector<2048x256xf32> to vector<256x256xf32>
    %dot_general3A_69 = arith.constant dense<0.000000e+00> : vector<256x256xf32>
    %dot_general3A_70 = tpu.matmul %select_n3A_67, %slice3A_68, %dot_general3A_69 {dimension_numbers = #tpu.dot_dimension_numbers<[0], [0], [1], [1], [0, 1, 1, 1], [], []>, transpose_lhs_hint = false} : vector<256x256xf32>, vector<256x256xf32>, vector<256x256xf32> -> vector<256x256xf32>
    %add3A_71 = arith.addf %add3A_55, %dot_general3A_70 : vector<256x256xf32>
    %dot_general3A_72 = arith.constant dense<0.000000e+00> : vector<256x1xf32>
    %dot_general3A_73 = tpu.matmul %select_n3A_67, %broadcast_in_dim3A_15, %dot_general3A_72 {dimension_numbers = #tpu.dot_dimension_numbers<[0], [0], [1], [1], [0, 1, 1, 1], [], []>, transpose_lhs_hint = false} : vector<256x256xf32>, vector<256x1xf32>, vector<256x1xf32> -> vector<256x1xf32>
    %add3A_74 = arith.addf %add3A_58, %dot_general3A_73 : vector<256x1xf32>
    %slice3A_75 = vector.extract_strided_slice %get3A_3 {offsets = [1024, 0], sizes = [256, 1], strides = [1, 1]} : vector<2048x1xf32> to vector<256x1xf32>
    %eq3A_76 = vector.broadcast %slice3A_75 : vector<256x1xf32> to vector<256x256xf32>
    %eq3A_77 = vector.broadcast %convert_element_type3A : vector<1x256xf32> to vector<256x256xf32>
    %eq3A_78 = arith.cmpf oeq, %eq3A_76, %eq3A_77 : vector<256x256xf32>
    %jit3A_79 = arith.constant 1.000000e+00 : f32
    %jit3A_80 = arith.constant 0.000000e+00 : f32
    %broadcast_in_dim3A_81 = vector.broadcast %jit3A_79 : f32 to vector<256x256xf32>
    %broadcast_in_dim3A_82 = vector.broadcast %jit3A_80 : f32 to vector<256x256xf32>
    %select_n3A_83 = arith.select %eq3A_78, %broadcast_in_dim3A_81, %broadcast_in_dim3A_82 : vector<256x256xi1>, vector<256x256xf32>
    %slice3A_84 = vector.extract_strided_slice %get3A_8 {offsets = [1024, 0], sizes = [256, 256], strides = [1, 1]} : vector<2048x256xf32> to vector<256x256xf32>
    %dot_general3A_85 = arith.constant dense<0.000000e+00> : vector<256x256xf32>
    %dot_general3A_86 = tpu.matmul %select_n3A_83, %slice3A_84, %dot_general3A_85 {dimension_numbers = #tpu.dot_dimension_numbers<[0], [0], [1], [1], [0, 1, 1, 1], [], []>, transpose_lhs_hint = false} : vector<256x256xf32>, vector<256x256xf32>, vector<256x256xf32> -> vector<256x256xf32>
    %add3A_87 = arith.addf %add3A_71, %dot_general3A_86 : vector<256x256xf32>
    %dot_general3A_88 = arith.constant dense<0.000000e+00> : vector<256x1xf32>
    %dot_general3A_89 = tpu.matmul %select_n3A_83, %broadcast_in_dim3A_15, %dot_general3A_88 {dimension_numbers = #tpu.dot_dimension_numbers<[0], [0], [1], [1], [0, 1, 1, 1], [], []>, transpose_lhs_hint = false} : vector<256x256xf32>, vector<256x1xf32>, vector<256x1xf32> -> vector<256x1xf32>
    %add3A_90 = arith.addf %add3A_74, %dot_general3A_89 : vector<256x1xf32>
    %slice3A_91 = vector.extract_strided_slice %get3A_3 {offsets = [1280, 0], sizes = [256, 1], strides = [1, 1]} : vector<2048x1xf32> to vector<256x1xf32>
    %eq3A_92 = vector.broadcast %slice3A_91 : vector<256x1xf32> to vector<256x256xf32>
    %eq3A_93 = vector.broadcast %convert_element_type3A : vector<1x256xf32> to vector<256x256xf32>
    %eq3A_94 = arith.cmpf oeq, %eq3A_92, %eq3A_93 : vector<256x256xf32>
    %jit3A_95 = arith.constant 1.000000e+00 : f32
    %jit3A_96 = arith.constant 0.000000e+00 : f32
    %broadcast_in_dim3A_97 = vector.broadcast %jit3A_95 : f32 to vector<256x256xf32>
    %broadcast_in_dim3A_98 = vector.broadcast %jit3A_96 : f32 to vector<256x256xf32>
    %select_n3A_99 = arith.select %eq3A_94, %broadcast_in_dim3A_97, %broadcast_in_dim3A_98 : vector<256x256xi1>, vector<256x256xf32>
    %slice3A_100 = vector.extract_strided_slice %get3A_8 {offsets = [1280, 0], sizes = [256, 256], strides = [1, 1]} : vector<2048x256xf32> to vector<256x256xf32>
    %dot_general3A_101 = arith.constant dense<0.000000e+00> : vector<256x256xf32>
    %dot_general3A_102 = tpu.matmul %select_n3A_99, %slice3A_100, %dot_general3A_101 {dimension_numbers = #tpu.dot_dimension_numbers<[0], [0], [1], [1], [0, 1, 1, 1], [], []>, transpose_lhs_hint = false} : vector<256x256xf32>, vector<256x256xf32>, vector<256x256xf32> -> vector<256x256xf32>
    %add3A_103 = arith.addf %add3A_87, %dot_general3A_102 : vector<256x256xf32>
    %dot_general3A_104 = arith.constant dense<0.000000e+00> : vector<256x1xf32>
    %dot_general3A_105 = tpu.matmul %select_n3A_99, %broadcast_in_dim3A_15, %dot_general3A_104 {dimension_numbers = #tpu.dot_dimension_numbers<[0], [0], [1], [1], [0, 1, 1, 1], [], []>, transpose_lhs_hint = false} : vector<256x256xf32>, vector<256x1xf32>, vector<256x1xf32> -> vector<256x1xf32>
    %add3A_106 = arith.addf %add3A_90, %dot_general3A_105 : vector<256x1xf32>
    %slice3A_107 = vector.extract_strided_slice %get3A_3 {offsets = [1536, 0], sizes = [256, 1], strides = [1, 1]} : vector<2048x1xf32> to vector<256x1xf32>
    %eq3A_108 = vector.broadcast %slice3A_107 : vector<256x1xf32> to vector<256x256xf32>
    %eq3A_109 = vector.broadcast %convert_element_type3A : vector<1x256xf32> to vector<256x256xf32>
    %eq3A_110 = arith.cmpf oeq, %eq3A_108, %eq3A_109 : vector<256x256xf32>
    %jit3A_111 = arith.constant 1.000000e+00 : f32
    %jit3A_112 = arith.constant 0.000000e+00 : f32
    %broadcast_in_dim3A_113 = vector.broadcast %jit3A_111 : f32 to vector<256x256xf32>
    %broadcast_in_dim3A_114 = vector.broadcast %jit3A_112 : f32 to vector<256x256xf32>
    %select_n3A_115 = arith.select %eq3A_110, %broadcast_in_dim3A_113, %broadcast_in_dim3A_114 : vector<256x256xi1>, vector<256x256xf32>
    %slice3A_116 = vector.extract_strided_slice %get3A_8 {offsets = [1536, 0], sizes = [256, 256], strides = [1, 1]} : vector<2048x256xf32> to vector<256x256xf32>
    %dot_general3A_117 = arith.constant dense<0.000000e+00> : vector<256x256xf32>
    %dot_general3A_118 = tpu.matmul %select_n3A_115, %slice3A_116, %dot_general3A_117 {dimension_numbers = #tpu.dot_dimension_numbers<[0], [0], [1], [1], [0, 1, 1, 1], [], []>, transpose_lhs_hint = false} : vector<256x256xf32>, vector<256x256xf32>, vector<256x256xf32> -> vector<256x256xf32>
    %add3A_119 = arith.addf %add3A_103, %dot_general3A_118 : vector<256x256xf32>
    %dot_general3A_120 = arith.constant dense<0.000000e+00> : vector<256x1xf32>
    %dot_general3A_121 = tpu.matmul %select_n3A_115, %broadcast_in_dim3A_15, %dot_general3A_120 {dimension_numbers = #tpu.dot_dimension_numbers<[0], [0], [1], [1], [0, 1, 1, 1], [], []>, transpose_lhs_hint = false} : vector<256x256xf32>, vector<256x1xf32>, vector<256x1xf32> -> vector<256x1xf32>
    %add3A_122 = arith.addf %add3A_106, %dot_general3A_121 : vector<256x1xf32>
    %slice3A_123 = vector.extract_strided_slice %get3A_3 {offsets = [1792, 0], sizes = [256, 1], strides = [1, 1]} : vector<2048x1xf32> to vector<256x1xf32>
    %eq3A_124 = vector.broadcast %slice3A_123 : vector<256x1xf32> to vector<256x256xf32>
    %eq3A_125 = vector.broadcast %convert_element_type3A : vector<1x256xf32> to vector<256x256xf32>
    %eq3A_126 = arith.cmpf oeq, %eq3A_124, %eq3A_125 : vector<256x256xf32>
    %jit3A_127 = arith.constant 1.000000e+00 : f32
    %jit3A_128 = arith.constant 0.000000e+00 : f32
    %broadcast_in_dim3A_129 = vector.broadcast %jit3A_127 : f32 to vector<256x256xf32>
    %broadcast_in_dim3A_130 = vector.broadcast %jit3A_128 : f32 to vector<256x256xf32>
    %select_n3A_131 = arith.select %eq3A_126, %broadcast_in_dim3A_129, %broadcast_in_dim3A_130 : vector<256x256xi1>, vector<256x256xf32>
    %slice3A_132 = vector.extract_strided_slice %get3A_8 {offsets = [1792, 0], sizes = [256, 256], strides = [1, 1]} : vector<2048x256xf32> to vector<256x256xf32>
    %dot_general3A_133 = arith.constant dense<0.000000e+00> : vector<256x256xf32>
    %dot_general3A_134 = tpu.matmul %select_n3A_131, %slice3A_132, %dot_general3A_133 {dimension_numbers = #tpu.dot_dimension_numbers<[0], [0], [1], [1], [0, 1, 1, 1], [], []>, transpose_lhs_hint = false} : vector<256x256xf32>, vector<256x256xf32>, vector<256x256xf32> -> vector<256x256xf32>
    %add3A_135 = arith.addf %add3A_119, %dot_general3A_134 : vector<256x256xf32>
    %dot_general3A_136 = arith.constant dense<0.000000e+00> : vector<256x1xf32>
    %dot_general3A_137 = tpu.matmul %select_n3A_131, %broadcast_in_dim3A_15, %dot_general3A_136 {dimension_numbers = #tpu.dot_dimension_numbers<[0], [0], [1], [1], [0, 1, 1, 1], [], []>, transpose_lhs_hint = false} : vector<256x256xf32>, vector<256x1xf32>, vector<256x1xf32> -> vector<256x1xf32>
    %add3A_138 = arith.addf %add3A_122, %dot_general3A_137 : vector<256x1xf32>
    %swap3A = arith.constant 0 : index
    %swap3A_139 = arith.constant 0 : index
    %swap3A_140 = arith.constant 0 : index
    %swap3A_141 = vector.load %arg4[%swap3A, %swap3A_139, %swap3A_140] : memref<1x256x256xf32, #tpu.memory_space<vmem>>, vector<1x256x256xf32>
    %swap3A_142 = vector.shape_cast %swap3A_141 : vector<1x256x256xf32> to vector<256x256xf32>
    %swap3A_143 = vector.shape_cast %add3A_135 : vector<256x256xf32> to vector<1x256x256xf32>
    tpu.vector_store %arg4[%swap3A, %swap3A_139, %swap3A_140], %swap3A_143 {strides = array<i32>} : memref<1x256x256xf32, #tpu.memory_space<vmem>>, vector<1x256x256xf32>,
    %swap3A_144 = arith.constant 0 : index
    %swap3A_145 = arith.constant 0 : index
    %swap3A_146 = arith.constant 0 : index
    %swap3A_147 = vector.load %arg5[%swap3A_144, %swap3A_145, %swap3A_146] : memref<1x256x1xf32, #tpu.memory_space<vmem>>, vector<1x256x1xf32>
    %swap3A_148 = vector.shape_cast %swap3A_147 : vector<1x256x1xf32> to vector<256x1xf32>
    %swap3A_149 = vector.shape_cast %add3A_138 : vector<256x1xf32> to vector<1x256x1xf32>
    tpu.vector_store %arg5[%swap3A_144, %swap3A_145, %swap3A_146], %swap3A_149 {strides = array<i32>} : memref<1x256x1xf32, #tpu.memory_space<vmem>>, vector<1x256x1xf32>,
    return
  }
  func.func @transform_0(%arg0: i32, %arg1: i32) -> (i32, i32, i32) {
    %c0_i32 = arith.constant 0 : i32
    %c0_i32_0 = arith.constant 0 : i32
    %c0_i32_1 = arith.constant 0 : i32
    return %arg0, %c0_i32, %c0_i32_0 : i32, i32, i32
  }
  func.func @transform_1(%arg0: i32, %arg1: i32) -> (i32, i32, i32) {
    %c0_i32 = arith.constant 0 : i32
    %c0_i32_0 = arith.constant 0 : i32
    %c0_i32_1 = arith.constant 0 : i32
    return %arg0, %c0_i32, %c0_i32_0 : i32, i32, i32
  }
  func.func @transform_2(%arg0: i32, %arg1: i32) -> (i32, i32, i32) {
    %c0_i32 = arith.constant 0 : i32
    %c0_i32_0 = arith.constant 0 : i32
    return %arg0, %arg1, %c0_i32 : i32, i32, i32
  }
  func.func @transform_3(%arg0: i32, %arg1: i32) -> (i32, i32, i32) {
    %c0_i32 = arith.constant 0 : i32
    %c0_i32_0 = arith.constant 0 : i32
    return %arg0, %arg1, %c0_i32 : i32, i32, i32
  }
}

module attributes {stable_mosaic.version = 14 : i64} {
  func.func @_kb_body(%arg0: i32, %arg1: i32, %arg2: memref<1x256x256xf32, #tpu.memory_space<vmem>>, %arg3: memref<1x256x1xf32, #tpu.memory_space<vmem>>, %arg4: memref<256x256xf32, #tpu.memory_space<vmem>>, %arg5: memref<1x256xf32, #tpu.memory_space<vmem>>, %arg6: memref<256x256xf32, #tpu.memory_space<vmem>>, %arg7: memref<256x256xf32, #tpu.memory_space<vmem>>, %arg8: memref<1x256x256xi32, #tpu.memory_space<vmem>>) attributes {dimension_semantics = [#tpu.dimension_semantics<arbitrary>, #tpu.dimension_semantics<arbitrary>], iteration_bounds = array<i64: 2, 8>, scalar_prefetch = 0 : i64, scratch_operands = 0 : i64, tpu.core_type = #tpu.core_type<tc>, window_params = [{transform_indices = @transform_0, window_bounds = array<i64: 1, 256, 256>}, {transform_indices = @transform_1, window_bounds = array<i64: 1, 256, 1>}, {pipeline_mode = #tpu.pipeline_mode<synchronous>, transform_indices = @transform_2, window_bounds = array<i64: 256, 256>}, {pipeline_mode = #tpu.pipeline_mode<synchronous>, transform_indices = @transform_3, window_bounds = array<i64: 1, 256>}, {pipeline_mode = #tpu.pipeline_mode<synchronous>, transform_indices = @transform_4, window_bounds = array<i64: 256, 256>}, {pipeline_mode = #tpu.pipeline_mode<synchronous>, transform_indices = @transform_5, window_bounds = array<i64: 256, 256>}, {transform_indices = @transform_6, window_bounds = array<i64: 1, 256, 256>}]} {
    %get3A = arith.constant 0 : index
    %get3A_0 = arith.constant 0 : index
    %get3A_1 = arith.constant 0 : index
    %get3A_2 = vector.load %arg3[%get3A, %get3A_0, %get3A_1] : memref<1x256x1xf32, #tpu.memory_space<vmem>>, vector<1x256x1xf32>
    %get3A_3 = vector.shape_cast %get3A_2 : vector<1x256x1xf32> to vector<256x1xf32>
    %get3A_4 = arith.constant 0 : index
    %get3A_5 = arith.constant 0 : index
    %get3A_6 = arith.constant 0 : index
    %get3A_7 = vector.load %arg2[%get3A_4, %get3A_5, %get3A_6] : memref<1x256x256xf32, #tpu.memory_space<vmem>>, vector<1x256x256xf32>
    %get3A_8 = vector.shape_cast %get3A_7 : vector<1x256x256xf32> to vector<256x256xf32>
    %max3A = arith.constant 1.000000e+00 : f32
    %max3A_9 = vector.broadcast %max3A : f32 to vector<256x1xf32>
    %max3A_10 = arith.maximumf %get3A_3, %max3A_9 : vector<256x1xf32>
    %div3A = vector.broadcast %max3A_10 : vector<256x1xf32> to vector<256x256xf32>
    %div3A_11 = arith.divf %get3A_8, %div3A : vector<256x256xf32>
    %get3A_12 = arith.constant 0 : index
    %get3A_13 = arith.constant 0 : index
    %get3A_14 = vector.load %arg4[%get3A_12, %get3A_13] : memref<256x256xf32, #tpu.memory_space<vmem>>, vector<256x256xf32>
    %dot_general3A = arith.constant dense<0.000000e+00> : vector<256x256xf32>
    %dot_general3A_15 = tpu.matmul %div3A_11, %get3A_14, %dot_general3A {dimension_numbers = #tpu.dot_dimension_numbers<[1], [0], [0], [1], [0, 0, 1, 1], [], []>, transpose_lhs_hint = false} : vector<256x256xf32>, vector<256x256xf32>, vector<256x256xf32> -> vector<256x256xf32>
    %get3A_16 = arith.constant 0 : index
    %get3A_17 = arith.constant 0 : index
    %get3A_18 = vector.load %arg5[%get3A_16, %get3A_17] : memref<1x256xf32, #tpu.memory_space<vmem>>, vector<1x256xf32>
    %add3A = vector.broadcast %get3A_18 : vector<1x256xf32> to vector<256x256xf32>
    %add3A_19 = arith.addf %dot_general3A_15, %add3A : vector<256x256xf32>
    %max3A_20 = arith.constant 0.000000e+00 : f32
    %max3A_21 = vector.broadcast %max3A_20 : f32 to vector<256x256xf32>
    %max3A_22 = arith.maximumf %add3A_19, %max3A_21 : vector<256x256xf32>
    %get3A_23 = arith.constant 0 : index
    %get3A_24 = arith.constant 0 : index
    %get3A_25 = vector.load %arg6[%get3A_23, %get3A_24] : memref<256x256xf32, #tpu.memory_space<vmem>>, vector<256x256xf32>
    %dot_general3A_26 = arith.constant dense<0.000000e+00> : vector<256x256xf32>
    %dot_general3A_27 = tpu.matmul %max3A_22, %get3A_25, %dot_general3A_26 {dimension_numbers = #tpu.dot_dimension_numbers<[1], [0], [0], [1], [0, 0, 1, 1], [], []>, transpose_lhs_hint = false} : vector<256x256xf32>, vector<256x256xf32>, vector<256x256xf32> -> vector<256x256xf32>
    %get3A_28 = arith.constant 0 : index
    %get3A_29 = arith.constant 0 : index
    %get3A_30 = vector.load %arg7[%get3A_28, %get3A_29] : memref<256x256xf32, #tpu.memory_space<vmem>>, vector<256x256xf32>
    %dot_general3A_31 = arith.constant dense<0.000000e+00> : vector<256x256xf32>
    %dot_general3A_32 = tpu.matmul %max3A_22, %get3A_30, %dot_general3A_31 {dimension_numbers = #tpu.dot_dimension_numbers<[1], [0], [0], [1], [0, 0, 1, 1], [], []>, transpose_lhs_hint = false} : vector<256x256xf32>, vector<256x256xf32>, vector<256x256xf32> -> vector<256x256xf32>
    %convert_element_type3A = arith.truncf %dot_general3A_27 : vector<256x256xf32> to vector<256x256xbf16>
    %bitcast_convert_type3A = tpu.bitcast %convert_element_type3A : vector<256x256xbf16> -> vector<256x256xi16>
    %convert_element_type3A_33 = arith.truncf %dot_general3A_32 : vector<256x256xf32> to vector<256x256xbf16>
    %bitcast_convert_type3A_34 = tpu.bitcast %convert_element_type3A_33 : vector<256x256xbf16> -> vector<256x256xi16>
    %convert_element_type3A_35 = arith.extui %bitcast_convert_type3A : vector<256x256xi16> to vector<256x256xi32>
    %shift_left3A = arith.constant 16 : i32
    %shift_left3A_36 = vector.broadcast %shift_left3A : i32 to vector<256x256xi32>
    %shift_left3A_37 = arith.shli %convert_element_type3A_35, %shift_left3A_36 : vector<256x256xi32>
    %convert_element_type3A_38 = arith.extui %bitcast_convert_type3A_34 : vector<256x256xi16> to vector<256x256xi32>
    %or3A = arith.ori %shift_left3A_37, %convert_element_type3A_38 : vector<256x256xi32>
    %bitcast_convert_type3A_39 = tpu.bitcast %or3A : vector<256x256xi32> -> vector<256x256xi32>
    %swap3A = arith.constant 0 : index
    %swap3A_40 = arith.constant 0 : index
    %swap3A_41 = arith.constant 0 : index
    %swap3A_42 = vector.load %arg8[%swap3A, %swap3A_40, %swap3A_41] : memref<1x256x256xi32, #tpu.memory_space<vmem>>, vector<1x256x256xi32>
    %swap3A_43 = vector.shape_cast %swap3A_42 : vector<1x256x256xi32> to vector<256x256xi32>
    %swap3A_44 = vector.shape_cast %bitcast_convert_type3A_39 : vector<256x256xi32> to vector<1x256x256xi32>
    tpu.vector_store %arg8[%swap3A, %swap3A_40, %swap3A_41], %swap3A_44 {strides = array<i32>} : memref<1x256x256xi32, #tpu.memory_space<vmem>>, vector<1x256x256xi32>,
    return
  }
  func.func @transform_0(%arg0: i32, %arg1: i32) -> (i32, i32, i32) {
    %c0_i32 = arith.constant 0 : i32
    %c0_i32_0 = arith.constant 0 : i32
    return %arg0, %arg1, %c0_i32 : i32, i32, i32
  }
  func.func @transform_1(%arg0: i32, %arg1: i32) -> (i32, i32, i32) {
    %c0_i32 = arith.constant 0 : i32
    %c0_i32_0 = arith.constant 0 : i32
    return %arg0, %arg1, %c0_i32 : i32, i32, i32
  }
  func.func @transform_2(%arg0: i32, %arg1: i32) -> (i32, i32) {
    %c0_i32 = arith.constant 0 : i32
    %c0_i32_0 = arith.constant 0 : i32
    %c0_i32_1 = arith.constant 0 : i32
    return %c0_i32, %c0_i32_0 : i32, i32
  }
  func.func @transform_3(%arg0: i32, %arg1: i32) -> (i32, i32) {
    %c0_i32 = arith.constant 0 : i32
    %c0_i32_0 = arith.constant 0 : i32
    %c0_i32_1 = arith.constant 0 : i32
    return %c0_i32, %c0_i32_0 : i32, i32
  }
  func.func @transform_4(%arg0: i32, %arg1: i32) -> (i32, i32) {
    %c0_i32 = arith.constant 0 : i32
    %c0_i32_0 = arith.constant 0 : i32
    %c0_i32_1 = arith.constant 0 : i32
    return %c0_i32, %c0_i32_0 : i32, i32
  }
  func.func @transform_5(%arg0: i32, %arg1: i32) -> (i32, i32) {
    %c0_i32 = arith.constant 0 : i32
    %c0_i32_0 = arith.constant 0 : i32
    %c0_i32_1 = arith.constant 0 : i32
    return %c0_i32, %c0_i32_0 : i32, i32
  }
  func.func @transform_6(%arg0: i32, %arg1: i32) -> (i32, i32, i32) {
    %c0_i32 = arith.constant 0 : i32
    %c0_i32_0 = arith.constant 0 : i32
    return %arg0, %arg1, %c0_i32 : i32, i32, i32
  }
}

module attributes {stable_mosaic.version = 14 : i64} {
  func.func @_kc_body(%arg0: i32, %arg1: i32, %arg2: memref<1x64x256xf32, #tpu.memory_space<vmem>>, %arg3: memref<1x64x256xf32, #tpu.memory_space<vmem>>, %arg4: memref<1x1728x256xi32, #tpu.memory_space<vmem>>, %arg5: memref<1x1728x1xi32, #tpu.memory_space<vmem>>, %arg6: memref<32x256xf32, #tpu.memory_space<vmem>>, %arg7: memref<32x256xf32, #tpu.memory_space<vmem>>, %arg8: memref<256x256xf32, #tpu.memory_space<vmem>>, %arg9: memref<1x256xf32, #tpu.memory_space<vmem>>, %arg10: memref<1x256xf32, #tpu.memory_space<vmem>>, %arg11: memref<1x256xf32, #tpu.memory_space<vmem>>, %arg12: memref<1x64x256xf32, #tpu.memory_space<vmem>>) attributes {dimension_semantics = [#tpu.dimension_semantics<arbitrary>, #tpu.dimension_semantics<arbitrary>], iteration_bounds = array<i64: 2, 32>, scalar_prefetch = 0 : i64, scratch_operands = 0 : i64, tpu.core_type = #tpu.core_type<tc>, window_params = [{transform_indices = @transform_0, window_bounds = array<i64: 1, 64, 256>}, {transform_indices = @transform_1, window_bounds = array<i64: 1, 64, 256>}, {transform_indices = @transform_2, window_bounds = array<i64: 1, 1728, 256>}, {transform_indices = @transform_3, window_bounds = array<i64: 1, 1728, 1>}, {pipeline_mode = #tpu.pipeline_mode<synchronous>, transform_indices = @transform_4, window_bounds = array<i64: 32, 256>}, {pipeline_mode = #tpu.pipeline_mode<synchronous>, transform_indices = @transform_5, window_bounds = array<i64: 32, 256>}, {pipeline_mode = #tpu.pipeline_mode<synchronous>, transform_indices = @transform_6, window_bounds = array<i64: 256, 256>}, {pipeline_mode = #tpu.pipeline_mode<synchronous>, transform_indices = @transform_7, window_bounds = array<i64: 1, 256>}, {pipeline_mode = #tpu.pipeline_mode<synchronous>, transform_indices = @transform_8, window_bounds = array<i64: 1, 256>}, {pipeline_mode = #tpu.pipeline_mode<synchronous>, transform_indices = @transform_9, window_bounds = array<i64: 1, 256>}, {transform_indices = @transform_10, window_bounds = array<i64: 1, 64, 256>}]} {
    %iota3A = tpu.iota {dimensions = array<i32: 0>} : vector<1728x1xi32>
    %jit3A = arith.constant 27 : i32
    %div3A = vector.broadcast %jit3A : i32 to vector<1728x1xi32>
    %div3A_0 = arith.divsi %iota3A, %div3A : vector<1728x1xi32>
    %sign3A = arith.constant 0 : i32
    %sign3A_1 = vector.broadcast %sign3A : i32 to vector<1728x1xi32>
    %sign3A_2 = arith.cmpi sgt, %iota3A, %sign3A_1 : vector<1728x1xi32>
    %sign3A_3 = arith.extui %sign3A_2 : vector<1728x1xi1> to vector<1728x1xi32>
    %sign3A_4 = arith.constant 0 : i32
    %sign3A_5 = vector.broadcast %sign3A_4 : i32 to vector<1728x1xi32>
    %sign3A_6 = arith.cmpi slt, %iota3A, %sign3A_5 : vector<1728x1xi32>
    %sign3A_7 = arith.extui %sign3A_6 : vector<1728x1xi1> to vector<1728x1xi32>
    %sign3A_8 = arith.subi %sign3A_3, %sign3A_7 : vector<1728x1xi32>
    %sign3A_9 = arith.constant 0 : i32
    %sign3A_10 = arith.cmpi sgt, %jit3A, %sign3A_9 : i32
    %sign3A_11 = arith.extui %sign3A_10 : i1 to i32
    %sign3A_12 = arith.constant 0 : i32
    %sign3A_13 = arith.cmpi slt, %jit3A, %sign3A_12 : i32
    %sign3A_14 = arith.extui %sign3A_13 : i1 to i32
    %sign3A_15 = arith.subi %sign3A_11, %sign3A_14 : i32
    %ne3A = vector.broadcast %sign3A_15 : i32 to vector<1728x1xi32>
    %ne3A_16 = arith.cmpi ne, %sign3A_8, %ne3A : vector<1728x1xi32>
    %rem3A = vector.broadcast %jit3A : i32 to vector<1728x1xi32>
    %rem3A_17 = arith.remsi %iota3A, %rem3A : vector<1728x1xi32>
    %ne3A_18 = arith.constant 0 : i32
    %ne3A_19 = vector.broadcast %ne3A_18 : i32 to vector<1728x1xi32>
    %ne3A_20 = arith.cmpi ne, %rem3A_17, %ne3A_19 : vector<1728x1xi32>
    %and3A = arith.andi %ne3A_16, %ne3A_20 : vector<1728x1xi1>
    %sub3A = arith.constant 1 : i32
    %sub3A_21 = vector.broadcast %sub3A : i32 to vector<1728x1xi32>
    %sub3A_22 = arith.subi %div3A_0, %sub3A_21 : vector<1728x1xi32>
    %select_n3A = arith.select %and3A, %sub3A_22, %div3A_0 : vector<1728x1xi1>, vector<1728x1xi32>
    %iota3A_23 = tpu.iota {dimensions = array<i32: 1>} : vector<1x64xi32>
    %eq3A = vector.broadcast %select_n3A : vector<1728x1xi32> to vector<1728x64xi32>
    %eq3A_24 = vector.broadcast %iota3A_23 : vector<1x64xi32> to vector<1728x64xi32>
    %eq3A_25 = arith.cmpi eq, %eq3A, %eq3A_24 : vector<1728x64xi32>
    %jit3A_26 = arith.constant 1.000000e+00 : f32
    %jit3A_27 = arith.constant 0.000000e+00 : f32
    %broadcast_in_dim3A = vector.broadcast %jit3A_26 : f32 to vector<1728x64xf32>
    %broadcast_in_dim3A_28 = vector.broadcast %jit3A_27 : f32 to vector<1728x64xf32>
    %select_n3A_29 = arith.select %eq3A_25, %broadcast_in_dim3A, %broadcast_in_dim3A_28 : vector<1728x64xi1>, vector<1728x64xf32>
    %jit3A_30 = arith.constant 27 : i32
    %eq3A_31 = arith.constant 0 : i32
    %eq3A_32 = arith.cmpi eq, %jit3A_30, %eq3A_31 : i32
    %jit3A_33 = arith.constant 1 : i32
    %select_n3A_34 = arith.select %eq3A_32, %jit3A_33, %jit3A_30 : i32
    %rem3A_35 = vector.broadcast %select_n3A_34 : i32 to vector<1728x1xi32>
    %rem3A_36 = arith.remsi %iota3A, %rem3A_35 : vector<1728x1xi32>
    %ne3A_37 = arith.constant 0 : i32
    %ne3A_38 = vector.broadcast %ne3A_37 : i32 to vector<1728x1xi32>
    %ne3A_39 = arith.cmpi ne, %rem3A_36, %ne3A_38 : vector<1728x1xi32>
    %lt3A = arith.constant 0 : i32
    %lt3A_40 = vector.broadcast %lt3A : i32 to vector<1728x1xi32>
    %lt3A_41 = arith.cmpi slt, %rem3A_36, %lt3A_40 : vector<1728x1xi32>
    %lt3A_42 = arith.constant 0 : i32
    %lt3A_43 = arith.cmpi slt, %select_n3A_34, %lt3A_42 : i32
    %ne3A_44 = vector.broadcast %lt3A_43 : i1 to vector<1728x1xi1>
    %ne3A_45 = vector.broadcast %ne3A_44 : vector<1728x1xi1> to vector<1728x1xi1>
    %ne3A_46 = arith.xori %lt3A_41, %ne3A_45 : vector<1728x1xi1>
    %and3A_47 = arith.andi %ne3A_46, %ne3A_39 : vector<1728x1xi1>
    %add3A = vector.broadcast %select_n3A_34 : i32 to vector<1728x1xi32>
    %add3A_48 = arith.addi %rem3A_36, %add3A : vector<1728x1xi32>
    %select_n3A_49 = arith.select %and3A_47, %add3A_48, %rem3A_36 : vector<1728x1xi1>, vector<1728x1xi32>
    %iota3A_50 = tpu.iota {dimensions = array<i32: 1>} : vector<1x32xi32>
    %eq3A_51 = vector.broadcast %select_n3A_49 : vector<1728x1xi32> to vector<1728x32xi32>
    %eq3A_52 = vector.broadcast %iota3A_50 : vector<1x32xi32> to vector<1728x32xi32>
    %eq3A_53 = arith.cmpi eq, %eq3A_51, %eq3A_52 : vector<1728x32xi32>
    %jit3A_54 = arith.constant 1.000000e+00 : f32
    %jit3A_55 = arith.constant 0.000000e+00 : f32
    %broadcast_in_dim3A_56 = vector.broadcast %jit3A_54 : f32 to vector<1728x32xf32>
    %broadcast_in_dim3A_57 = vector.broadcast %jit3A_55 : f32 to vector<1728x32xf32>
    %select_n3A_58 = arith.select %eq3A_53, %broadcast_in_dim3A_56, %broadcast_in_dim3A_57 : vector<1728x32xi1>, vector<1728x32xf32>
    %iota3A_59 = tpu.iota {dimensions = array<i32: 0>} : vector<256x1xi32>
    %jit3A_60 = arith.constant 64 : i32
    %div3A_61 = vector.broadcast %jit3A_60 : i32 to vector<256x1xi32>
    %div3A_62 = arith.divsi %iota3A_59, %div3A_61 : vector<256x1xi32>
    %sign3A_63 = arith.constant 0 : i32
    %sign3A_64 = vector.broadcast %sign3A_63 : i32 to vector<256x1xi32>
    %sign3A_65 = arith.cmpi sgt, %iota3A_59, %sign3A_64 : vector<256x1xi32>
    %sign3A_66 = arith.extui %sign3A_65 : vector<256x1xi1> to vector<256x1xi32>
    %sign3A_67 = arith.constant 0 : i32
    %sign3A_68 = vector.broadcast %sign3A_67 : i32 to vector<256x1xi32>
    %sign3A_69 = arith.cmpi slt, %iota3A_59, %sign3A_68 : vector<256x1xi32>
    %sign3A_70 = arith.extui %sign3A_69 : vector<256x1xi1> to vector<256x1xi32>
    %sign3A_71 = arith.subi %sign3A_66, %sign3A_70 : vector<256x1xi32>
    %sign3A_72 = arith.constant 0 : i32
    %sign3A_73 = arith.cmpi sgt, %jit3A_60, %sign3A_72 : i32
    %sign3A_74 = arith.extui %sign3A_73 : i1 to i32
    %sign3A_75 = arith.constant 0 : i32
    %sign3A_76 = arith.cmpi slt, %jit3A_60, %sign3A_75 : i32
    %sign3A_77 = arith.extui %sign3A_76 : i1 to i32
    %sign3A_78 = arith.subi %sign3A_74, %sign3A_77 : i32
    %ne3A_79 = vector.broadcast %sign3A_78 : i32 to vector<256x1xi32>
    %ne3A_80 = arith.cmpi ne, %sign3A_71, %ne3A_79 : vector<256x1xi32>
    %rem3A_81 = vector.broadcast %jit3A_60 : i32 to vector<256x1xi32>
    %rem3A_82 = arith.remsi %iota3A_59, %rem3A_81 : vector<256x1xi32>
    %ne3A_83 = arith.constant 0 : i32
    %ne3A_84 = vector.broadcast %ne3A_83 : i32 to vector<256x1xi32>
    %ne3A_85 = arith.cmpi ne, %rem3A_82, %ne3A_84 : vector<256x1xi32>
    %and3A_86 = arith.andi %ne3A_80, %ne3A_85 : vector<256x1xi1>
    %sub3A_87 = arith.constant 1 : i32
    %sub3A_88 = vector.broadcast %sub3A_87 : i32 to vector<256x1xi32>
    %sub3A_89 = arith.subi %div3A_62, %sub3A_88 : vector<256x1xi32>
    %select_n3A_90 = arith.select %and3A_86, %sub3A_89, %div3A_62 : vector<256x1xi1>, vector<256x1xi32>
    %iota3A_91 = tpu.iota {dimensions = array<i32: 1>} : vector<1x4xi32>
    %eq3A_92 = vector.broadcast %select_n3A_90 : vector<256x1xi32> to vector<256x4xi32>
    %eq3A_93 = vector.broadcast %iota3A_91 : vector<1x4xi32> to vector<256x4xi32>
    %eq3A_94 = arith.cmpi eq, %eq3A_92, %eq3A_93 : vector<256x4xi32>
    %jit3A_95 = arith.constant 1.000000e+00 : f32
    %jit3A_96 = arith.constant 0.000000e+00 : f32
    %broadcast_in_dim3A_97 = vector.broadcast %jit3A_95 : f32 to vector<256x4xf32>
    %broadcast_in_dim3A_98 = vector.broadcast %jit3A_96 : f32 to vector<256x4xf32>
    %select_n3A_99 = arith.select %eq3A_94, %broadcast_in_dim3A_97, %broadcast_in_dim3A_98 : vector<256x4xi1>, vector<256x4xf32>
    %iota3A_100 = tpu.iota {dimensions = array<i32: 0>} : vector<4x1xi32>
    %iota3A_101 = tpu.iota {dimensions = array<i32: 1>} : vector<1x256xi32>
    %jit3A_102 = arith.constant 64 : i32
    %div3A_103 = vector.broadcast %jit3A_102 : i32 to vector<1x256xi32>
    %div3A_104 = arith.divsi %iota3A_101, %div3A_103 : vector<1x256xi32>
    %sign3A_105 = arith.constant 0 : i32
    %sign3A_106 = vector.broadcast %sign3A_105 : i32 to vector<1x256xi32>
    %sign3A_107 = arith.cmpi sgt, %iota3A_101, %sign3A_106 : vector<1x256xi32>
    %sign3A_108 = arith.extui %sign3A_107 : vector<1x256xi1> to vector<1x256xi32>
    %sign3A_109 = arith.constant 0 : i32
    %sign3A_110 = vector.broadcast %sign3A_109 : i32 to vector<1x256xi32>
    %sign3A_111 = arith.cmpi slt, %iota3A_101, %sign3A_110 : vector<1x256xi32>
    %sign3A_112 = arith.extui %sign3A_111 : vector<1x256xi1> to vector<1x256xi32>
    %sign3A_113 = arith.subi %sign3A_108, %sign3A_112 : vector<1x256xi32>
    %sign3A_114 = arith.constant 0 : i32
    %sign3A_115 = arith.cmpi sgt, %jit3A_102, %sign3A_114 : i32
    %sign3A_116 = arith.extui %sign3A_115 : i1 to i32
    %sign3A_117 = arith.constant 0 : i32
    %sign3A_118 = arith.cmpi slt, %jit3A_102, %sign3A_117 : i32
    %sign3A_119 = arith.extui %sign3A_118 : i1 to i32
    %sign3A_120 = arith.subi %sign3A_116, %sign3A_119 : i32
    %ne3A_121 = vector.broadcast %sign3A_120 : i32 to vector<1x256xi32>
    %ne3A_122 = arith.cmpi ne, %sign3A_113, %ne3A_121 : vector<1x256xi32>
    %rem3A_123 = vector.broadcast %jit3A_102 : i32 to vector<1x256xi32>
    %rem3A_124 = arith.remsi %iota3A_101, %rem3A_123 : vector<1x256xi32>
    %ne3A_125 = arith.constant 0 : i32
    %ne3A_126 = vector.broadcast %ne3A_125 : i32 to vector<1x256xi32>
    %ne3A_127 = arith.cmpi ne, %rem3A_124, %ne3A_126 : vector<1x256xi32>
    %and3A_128 = arith.andi %ne3A_122, %ne3A_127 : vector<1x256xi1>
    %sub3A_129 = arith.constant 1 : i32
    %sub3A_130 = vector.broadcast %sub3A_129 : i32 to vector<1x256xi32>
    %sub3A_131 = arith.subi %div3A_104, %sub3A_130 : vector<1x256xi32>
    %select_n3A_132 = arith.select %and3A_128, %sub3A_131, %div3A_104 : vector<1x256xi1>, vector<1x256xi32>
    %eq3A_133 = vector.broadcast %iota3A_100 : vector<4x1xi32> to vector<4x256xi32>
    %eq3A_134 = vector.broadcast %select_n3A_132 : vector<1x256xi32> to vector<4x256xi32>
    %eq3A_135 = arith.cmpi eq, %eq3A_133, %eq3A_134 : vector<4x256xi32>
    %jit3A_136 = arith.constant 1.000000e+00 : f32
    %jit3A_137 = arith.constant 0.000000e+00 : f32
    %broadcast_in_dim3A_138 = vector.broadcast %jit3A_136 : f32 to vector<4x256xf32>
    %broadcast_in_dim3A_139 = vector.broadcast %jit3A_137 : f32 to vector<4x256xf32>
    %select_n3A_140 = arith.select %eq3A_135, %broadcast_in_dim3A_138, %broadcast_in_dim3A_139 : vector<4x256xi1>, vector<4x256xf32>
    %get3A = arith.constant 0 : index
    %get3A_141 = arith.constant 0 : index
    %get3A_142 = arith.constant 0 : index
    %get3A_143 = vector.load %arg4[%get3A, %get3A_141, %get3A_142] : memref<1x1728x256xi32, #tpu.memory_space<vmem>>, vector<1x1728x256xi32>
    %get3A_144 = vector.shape_cast %get3A_143 : vector<1x1728x256xi32> to vector<1728x256xi32>
    %bitcast_convert_type3A = tpu.bitcast %get3A_144 : vector<1728x256xi32> -> vector<1728x256xi32>
    %shift_right_logical3A = arith.constant 16 : i32
    %shift_right_logical3A_145 = vector.broadcast %shift_right_logical3A : i32 to vector<1728x256xi32>
    %shift_right_logical3A_146 = arith.shrui %bitcast_convert_type3A, %shift_right_logical3A_145 : vector<1728x256xi32>
    %convert_element_type3A = arith.trunci %shift_right_logical3A_146 : vector<1728x256xi32> to vector<1728x256xi16>
    %bitcast_convert_type3A_147 = tpu.bitcast %convert_element_type3A : vector<1728x256xi16> -> vector<1728x256xbf16>
    %and3A_148 = arith.constant 65535 : i32
    %and3A_149 = vector.broadcast %and3A_148 : i32 to vector<1728x256xi32>
    %and3A_150 = arith.andi %bitcast_convert_type3A, %and3A_149 : vector<1728x256xi32>
    %convert_element_type3A_151 = arith.trunci %and3A_150 : vector<1728x256xi32> to vector<1728x256xi16>
    %bitcast_convert_type3A_152 = tpu.bitcast %convert_element_type3A_151 : vector<1728x256xi16> -> vector<1728x256xbf16>
    %convert_element_type3A_153 = arith.extf %bitcast_convert_type3A_147 : vector<1728x256xbf16> to vector<1728x256xf32>
    %get3A_154 = arith.constant 0 : index
    %get3A_155 = arith.constant 0 : index
    %get3A_156 = vector.load %arg6[%get3A_154, %get3A_155] : memref<32x256xf32, #tpu.memory_space<vmem>>, vector<32x256xf32>
    %dot_general3A = arith.constant dense<0.000000e+00> : vector<1728x256xf32>
    %dot_general3A_157 = tpu.matmul %select_n3A_58, %get3A_156, %dot_general3A {dimension_numbers = #tpu.dot_dimension_numbers<[1], [0], [0], [1], [0, 0, 1, 1], [], []>, transpose_lhs_hint = false} : vector<1728x32xf32>, vector<32x256xf32>, vector<1728x256xf32> -> vector<1728x256xf32>
    %add3A_158 = arith.addf %convert_element_type3A_153, %dot_general3A_157 : vector<1728x256xf32>
    %convert_element_type3A_159 = arith.extf %bitcast_convert_type3A_152 : vector<1728x256xbf16> to vector<1728x256xf32>
    %get3A_160 = arith.constant 0 : index
    %get3A_161 = arith.constant 0 : index
    %get3A_162 = vector.load %arg7[%get3A_160, %get3A_161] : memref<32x256xf32, #tpu.memory_space<vmem>>, vector<32x256xf32>
    %dot_general3A_163 = arith.constant dense<0.000000e+00> : vector<1728x256xf32>
    %dot_general3A_164 = tpu.matmul %select_n3A_58, %get3A_162, %dot_general3A_163 {dimension_numbers = #tpu.dot_dimension_numbers<[1], [0], [0], [1], [0, 0, 1, 1], [], []>, transpose_lhs_hint = false} : vector<1728x32xf32>, vector<32x256xf32>, vector<1728x256xf32> -> vector<1728x256xf32>
    %add3A_165 = arith.addf %convert_element_type3A_159, %dot_general3A_164 : vector<1728x256xf32>
    %get3A_166 = arith.constant 0 : index
    %get3A_167 = arith.constant 0 : index
    %get3A_168 = arith.constant 0 : index
    %get3A_169 = vector.load %arg2[%get3A_166, %get3A_167, %get3A_168] : memref<1x64x256xf32, #tpu.memory_space<vmem>>, vector<1x64x256xf32>
    %get3A_170 = vector.shape_cast %get3A_169 : vector<1x64x256xf32> to vector<64x256xf32>
    %dot_general3A_171 = arith.constant dense<0.000000e+00> : vector<1728x256xf32>
    %dot_general3A_172 = tpu.matmul %select_n3A_29, %get3A_170, %dot_general3A_171 {dimension_numbers = #tpu.dot_dimension_numbers<[1], [0], [0], [1], [0, 0, 1, 1], [], []>, transpose_lhs_hint = false} : vector<1728x64xf32>, vector<64x256xf32>, vector<1728x256xf32> -> vector<1728x256xf32>
    %mul3A = arith.mulf %dot_general3A_172, %add3A_158 : vector<1728x256xf32>
    %dot_general3A_173 = arith.constant dense<0.000000e+00> : vector<1728x4xf32>
    %dot_general3A_174 = tpu.matmul %mul3A, %select_n3A_99, %dot_general3A_173 {dimension_numbers = #tpu.dot_dimension_numbers<[1], [0], [0], [1], [0, 0, 1, 1], [], []>, transpose_lhs_hint = false} : vector<1728x256xf32>, vector<256x4xf32>, vector<1728x4xf32> -> vector<1728x4xf32>
    %mul3A_175 = arith.constant 1.250000e-01 : f32
    %mul3A_176 = vector.broadcast %mul3A_175 : f32 to vector<1728x4xf32>
    %mul3A_177 = arith.mulf %dot_general3A_174, %mul3A_176 : vector<1728x4xf32>
    %get3A_178 = arith.constant 0 : index
    %get3A_179 = arith.constant 0 : index
    %get3A_180 = arith.constant 0 : index
    %get3A_181 = vector.load %arg5[%get3A_178, %get3A_179, %get3A_180] : memref<1x1728x1xi32, #tpu.memory_space<vmem>>, vector<1x1728x1xi32>
    %get3A_182 = vector.shape_cast %get3A_181 : vector<1x1728x1xi32> to vector<1728x1xi32>
    %gt3A = arith.constant 0 : i32
    %gt3A_183 = vector.broadcast %gt3A : i32 to vector<1728x1xi32>
    %gt3A_184 = arith.cmpi sgt, %get3A_182, %gt3A_183 : vector<1728x1xi32>
    %jit3A_185 = arith.constant -1.000000e+09 : f32
    %broadcast_in_dim3A_186 = vector.shape_cast %gt3A_184 : vector<1728x1xi1> to vector<1728x1xi1>
    %broadcast_in_dim3A_187 = vector.broadcast %broadcast_in_dim3A_186 : vector<1728x1xi1> to vector<1728x4xi1>
    %broadcast_in_dim3A_188 = vector.broadcast %jit3A_185 : f32 to vector<1728x4xf32>
    %select_n3A_189 = arith.select %broadcast_in_dim3A_187, %mul3A_177, %broadcast_in_dim3A_188 : vector<1728x4xi1>, vector<1728x4xf32>
    %exp3A = math.exp %select_n3A_189 : vector<1728x4xf32>
    %dot_general3A_190 = arith.constant dense<0.000000e+00> : vector<64x4xf32>
    %dot_general3A_191 = tpu.matmul %select_n3A_29, %exp3A, %dot_general3A_190 {dimension_numbers = #tpu.dot_dimension_numbers<[0], [0], [1], [1], [0, 1, 1, 1], [], []>, transpose_lhs_hint = false} : vector<1728x64xf32>, vector<1728x4xf32>, vector<64x4xf32> -> vector<64x4xf32>
    %dot_general3A_192 = arith.constant dense<0.000000e+00> : vector<1728x4xf32>
    %dot_general3A_193 = tpu.matmul %select_n3A_29, %dot_general3A_191, %dot_general3A_192 {dimension_numbers = #tpu.dot_dimension_numbers<[1], [0], [0], [1], [0, 0, 1, 1], [], []>, transpose_lhs_hint = false} : vector<1728x64xf32>, vector<64x4xf32>, vector<1728x4xf32> -> vector<1728x4xf32>
    %div3A_194 = arith.divf %exp3A, %dot_general3A_193 : vector<1728x4xf32>
    %dot_general3A_195 = arith.constant dense<0.000000e+00> : vector<1728x256xf32>
    %dot_general3A_196 = tpu.matmul %div3A_194, %select_n3A_140, %dot_general3A_195 {dimension_numbers = #tpu.dot_dimension_numbers<[1], [0], [0], [1], [0, 0, 1, 1], [], []>, transpose_lhs_hint = false} : vector<1728x4xf32>, vector<4x256xf32>, vector<1728x256xf32> -> vector<1728x256xf32>
    %mul3A_197 = arith.mulf %dot_general3A_196, %add3A_165 : vector<1728x256xf32>
    %dot_general3A_198 = arith.constant dense<0.000000e+00> : vector<64x256xf32>
    %dot_general3A_199 = tpu.matmul %select_n3A_29, %mul3A_197, %dot_general3A_198 {dimension_numbers = #tpu.dot_dimension_numbers<[0], [0], [1], [1], [0, 1, 1, 1], [], []>, transpose_lhs_hint = false} : vector<1728x64xf32>, vector<1728x256xf32>, vector<64x256xf32> -> vector<64x256xf32>
    %get3A_200 = arith.constant 0 : index
    %get3A_201 = arith.constant 0 : index
    %get3A_202 = vector.load %arg8[%get3A_200, %get3A_201] : memref<256x256xf32, #tpu.memory_space<vmem>>, vector<256x256xf32>
    %dot_general3A_203 = arith.constant dense<0.000000e+00> : vector<64x256xf32>
    %dot_general3A_204 = tpu.matmul %dot_general3A_199, %get3A_202, %dot_general3A_203 {dimension_numbers = #tpu.dot_dimension_numbers<[1], [0], [0], [1], [0, 0, 1, 1], [], []>, transpose_lhs_hint = false} : vector<64x256xf32>, vector<256x256xf32>, vector<64x256xf32> -> vector<64x256xf32>
    %get3A_205 = arith.constant 0 : index
    %get3A_206 = arith.constant 0 : index
    %get3A_207 = vector.load %arg9[%get3A_205, %get3A_206] : memref<1x256xf32, #tpu.memory_space<vmem>>, vector<1x256xf32>
    %add3A_208 = vector.broadcast %get3A_207 : vector<1x256xf32> to vector<64x256xf32>
    %add3A_209 = arith.addf %dot_general3A_204, %add3A_208 : vector<64x256xf32>
    %get3A_210 = arith.constant 0 : index
    %get3A_211 = arith.constant 0 : index
    %get3A_212 = arith.constant 0 : index
    %get3A_213 = vector.load %arg3[%get3A_210, %get3A_211, %get3A_212] : memref<1x64x256xf32, #tpu.memory_space<vmem>>, vector<1x64x256xf32>
    %get3A_214 = vector.shape_cast %get3A_213 : vector<1x64x256xf32> to vector<64x256xf32>
    %add3A_215 = arith.addf %get3A_214, %add3A_209 : vector<64x256xf32>
    %reduce_sum3A = arith.constant dense<0.000000e+00> : vector<64xf32>
    %reduce_sum3A_216 = vector.multi_reduction <add>, %add3A_215, %reduce_sum3A [1] : vector<64x256xf32> to vector<64xf32>
    %broadcast_in_dim3A_217 = vector.shape_cast %reduce_sum3A_216 : vector<64xf32> to vector<64x1xf32>
    %div3A_218 = arith.constant 2.560000e+02 : f32
    %div3A_219 = vector.broadcast %div3A_218 : f32 to vector<64x1xf32>
    %div3A_220 = arith.divf %broadcast_in_dim3A_217, %div3A_219 : vector<64x1xf32>
    %sub3A_221 = vector.broadcast %div3A_220 : vector<64x1xf32> to vector<64x256xf32>
    %sub3A_222 = arith.subf %add3A_215, %sub3A_221 : vector<64x256xf32>
    %integer_pow3A = arith.mulf %sub3A_222, %sub3A_222 : vector<64x256xf32>
    %reduce_sum3A_223 = arith.constant dense<0.000000e+00> : vector<64xf32>
    %reduce_sum3A_224 = vector.multi_reduction <add>, %integer_pow3A, %reduce_sum3A_223 [1] : vector<64x256xf32> to vector<64xf32>
    %broadcast_in_dim3A_225 = vector.shape_cast %reduce_sum3A_224 : vector<64xf32> to vector<64x1xf32>
    %div3A_226 = arith.constant 2.560000e+02 : f32
    %div3A_227 = vector.broadcast %div3A_226 : f32 to vector<64x1xf32>
    %div3A_228 = arith.divf %broadcast_in_dim3A_225, %div3A_227 : vector<64x1xf32>
    %sub3A_229 = vector.broadcast %div3A_220 : vector<64x1xf32> to vector<64x256xf32>
    %sub3A_230 = arith.subf %add3A_215, %sub3A_229 : vector<64x256xf32>
    %add3A_231 = arith.constant 9.99999974E-6 : f32
    %add3A_232 = vector.broadcast %add3A_231 : f32 to vector<64x1xf32>
    %add3A_233 = arith.addf %div3A_228, %add3A_232 : vector<64x1xf32>
    %rsqrt3A = math.rsqrt %add3A_233 : vector<64x1xf32>
    %mul3A_234 = vector.broadcast %rsqrt3A : vector<64x1xf32> to vector<64x256xf32>
    %mul3A_235 = arith.mulf %sub3A_230, %mul3A_234 : vector<64x256xf32>
    %get3A_236 = arith.constant 0 : index
    %get3A_237 = arith.constant 0 : index
    %get3A_238 = vector.load %arg10[%get3A_236, %get3A_237] : memref<1x256xf32, #tpu.memory_space<vmem>>, vector<1x256xf32>
    %mul3A_239 = vector.broadcast %get3A_238 : vector<1x256xf32> to vector<64x256xf32>
    %mul3A_240 = arith.mulf %mul3A_235, %mul3A_239 : vector<64x256xf32>
    %get3A_241 = arith.constant 0 : index
    %get3A_242 = arith.constant 0 : index
    %get3A_243 = vector.load %arg11[%get3A_241, %get3A_242] : memref<1x256xf32, #tpu.memory_space<vmem>>, vector<1x256xf32>
    %add3A_244 = vector.broadcast %get3A_243 : vector<1x256xf32> to vector<64x256xf32>
    %add3A_245 = arith.addf %mul3A_240, %add3A_244 : vector<64x256xf32>
    %swap3A = arith.constant 0 : index
    %swap3A_246 = arith.constant 0 : index
    %swap3A_247 = arith.constant 0 : index
    %swap3A_248 = vector.load %arg12[%swap3A, %swap3A_246, %swap3A_247] : memref<1x64x256xf32, #tpu.memory_space<vmem>>, vector<1x64x256xf32>
    %swap3A_249 = vector.shape_cast %swap3A_248 : vector<1x64x256xf32> to vector<64x256xf32>
    %swap3A_250 = vector.shape_cast %add3A_245 : vector<64x256xf32> to vector<1x64x256xf32>
    tpu.vector_store %arg12[%swap3A, %swap3A_246, %swap3A_247], %swap3A_250 {strides = array<i32>} : memref<1x64x256xf32, #tpu.memory_space<vmem>>, vector<1x64x256xf32>,
    return
  }
  func.func @transform_0(%arg0: i32, %arg1: i32) -> (i32, i32, i32) {
    %c0_i32 = arith.constant 0 : i32
    %c0_i32_0 = arith.constant 0 : i32
    return %arg0, %arg1, %c0_i32 : i32, i32, i32
  }
  func.func @transform_1(%arg0: i32, %arg1: i32) -> (i32, i32, i32) {
    %c0_i32 = arith.constant 0 : i32
    %c0_i32_0 = arith.constant 0 : i32
    return %arg0, %arg1, %c0_i32 : i32, i32, i32
  }
  func.func @transform_2(%arg0: i32, %arg1: i32) -> (i32, i32, i32) {
    %c0_i32 = arith.constant 0 : i32
    %c0_i32_0 = arith.constant 0 : i32
    return %arg0, %arg1, %c0_i32 : i32, i32, i32
  }
  func.func @transform_3(%arg0: i32, %arg1: i32) -> (i32, i32, i32) {
    %c0_i32 = arith.constant 0 : i32
    %c0_i32_0 = arith.constant 0 : i32
    return %arg0, %arg1, %c0_i32 : i32, i32, i32
  }
  func.func @transform_4(%arg0: i32, %arg1: i32) -> (i32, i32) {
    %c0_i32 = arith.constant 0 : i32
    %c0_i32_0 = arith.constant 0 : i32
    %c0_i32_1 = arith.constant 0 : i32
    return %c0_i32, %c0_i32_0 : i32, i32
  }
  func.func @transform_5(%arg0: i32, %arg1: i32) -> (i32, i32) {
    %c0_i32 = arith.constant 0 : i32
    %c0_i32_0 = arith.constant 0 : i32
    %c0_i32_1 = arith.constant 0 : i32
    return %c0_i32, %c0_i32_0 : i32, i32
  }
  func.func @transform_6(%arg0: i32, %arg1: i32) -> (i32, i32) {
    %c0_i32 = arith.constant 0 : i32
    %c0_i32_0 = arith.constant 0 : i32
    %c0_i32_1 = arith.constant 0 : i32
    return %c0_i32, %c0_i32_0 : i32, i32
  }
  func.func @transform_7(%arg0: i32, %arg1: i32) -> (i32, i32) {
    %c0_i32 = arith.constant 0 : i32
    %c0_i32_0 = arith.constant 0 : i32
    %c0_i32_1 = arith.constant 0 : i32
    return %c0_i32, %c0_i32_0 : i32, i32
  }
  func.func @transform_8(%arg0: i32, %arg1: i32) -> (i32, i32) {
    %c0_i32 = arith.constant 0 : i32
    %c0_i32_0 = arith.constant 0 : i32
    %c0_i32_1 = arith.constant 0 : i32
    return %c0_i32, %c0_i32_0 : i32, i32
  }
  func.func @transform_9(%arg0: i32, %arg1: i32) -> (i32, i32) {
    %c0_i32 = arith.constant 0 : i32
    %c0_i32_0 = arith.constant 0 : i32
    %c0_i32_1 = arith.constant 0 : i32
    return %c0_i32, %c0_i32_0 : i32, i32
  }
  func.func @transform_10(%arg0: i32, %arg1: i32) -> (i32, i32, i32) {
    %c0_i32 = arith.constant 0 : i32
    %c0_i32_0 = arith.constant 0 : i32
    return %arg0, %arg1, %c0_i32 : i32, i32, i32
  }
}

</mosaic_0001>

<sc_bundles>
// kernel: kernel.12.cloned.1.call-start
scs
__scs_entry_jumppad:
0x0: {  	(pc) =	sbr.rel $0x88, $3  }
0x1: {  	(tag) =	ssettag $0x0;
	lr =	simm.s32 $0x1  }
0x2: {  	[smem:$0x3F8D] =	sst lr;
	_ =	strace $0xD0000000  }
0x3: {  	_ = 	snop  }
0x4: {  	_ = 	snop  }
0x5: {  	_ = 	snop  }
0x6: {  	_ = 	snop  }
0x7: {  	_ = 	snop  }
__scs_overlays_trampoline_lowered:
0x8: {  	[smem:$0x3F9C] =	sst s0  }
0x9: {  	[smem:$0x3F9D] =	sst s1  }
0xa: {  	[smem:$0x3F9E] =	sst s2  }
0xb: {  	[smem:$0x3F9F] =	sst s3  }
0xc: {  	[smem:$0x3FA0] =	sst s4  }
0xd: {  	[smem:$0x3FA1] =	sst s5  }
0xe: {  	[smem:$0x3FA2] =	sst s6  }
0xf: {  	[smem:$0x3FA3] =	sst s7  }
0x10: {  	[smem:$0x3FA4] =	sst s8  }
0x11: {  	[smem:$0x3FA5] =	sst s9;
	s0 =	simm.s32 @!p0 $0x0  }
0x12: {  	s1 =	sld [smem:$0x3F8B];
	s0 =	simm.s32 @p0 $0x1  }
0x13: {  	[smem:$0x3FA6] =	sst s0;
	s0 =	simm.s32 @!p1 $0x0  }
0x14: {  	s2 =	sld [smem:$0x3F8A];
	s0 =	simm.s32 @p1 $0x1  }
0x15: {  	[smem:$0x3FA7] =	sst s0;
	s0 =	simm.s32 @!p2 $0x0  }
0x16: {  	s3 =	sld [smem:$0x3FDB];
	s0 =	simm.s32 @p2 $0x1  }
0x17: {  	s4 =	simm.s32 $0x1BF5;
	[smem:$0x3FA9] =	sst s0  }
0x18: {  	s0 =	sld [smem:$0x3F8C];
	_ =	swait.ge [sflag:s4], $0x0  }
0x19: {  	s7 =	sld [smem:$0x3F8D]  }
0x1a: {  	s8 =	sadd.s32 $0xFFFFE003, lr  }
0x1b: {  	s9 =	sadd.s32 $0xFFFFFEF7, lr;
	s5 =	simm.s32 $0xFFFFFFFF;
	p2 =	slt.u32 s8, $0xFFFFF086  }
0x1c: {  	p1 =	slt.u32 s9, $0xF7A;
	s5 =	simm.s32 @!p2 $0x0  }
0x1d: {  	s5 =	simm.s32 @p1 $0x1;
	p0 =	seq.s32 s7, s2  }
0x1e: {  	s7 =	smul.u32 @!p0 $0xF7A, s2;
	p2 =	seq.s32 @!p0 s5, $0x0  }
0x1f: {  	s9 =	smul.u32 $0xF7A, s1;
	s8 =	simm.s32 @!p0 $0x1BF5;
	p2 =	por !p2, p0  }
0x20: {  	[sflag:s8] =	ssyncset.s32 @!p0 $0xFFFFF086;
	s6 =	sadd.s32 @!p0 s3, s7;
	s7 =	simm.s32 @!p0 $0x108  }
0x21: {  	s3 =	sadd.s32 s3, s9;
	s6 =	sadd.s32 @!p0 $0x88, s6;
	s7 =	simm.s32 @p2 $0x1082  }
0x22: {  	[simem:s7], [sflag:s8] =	dma.local @!p0 [hbm:s6], $0xF7A  }
0x23: {  	s9 =	sor.u32 $0xD0000000, s2;
	s6 =	simm.s32 $0x108;
	_ =	swait.ge @!p0 [sflag:s8], $0x0  }
0x24: {  	s3 =	sadd.s32 $0x88, s3;
	s6 =	simm.s32 @!p1 $0x1082;
	[sflag:s4] =	ssyncset.s32 $0xFFFFF086  }
0x25: {  	[simem:s6], [sflag:s4] =	dma.local [hbm:s3], $0xF7A  }
0x26: {  	[smem:$0x3F8D] =	sst s1;
	(tag) =	ssettag s2;
	_ =	strace s9  }
0x27: {  	s1 =	sld [smem:$0x3F9D]  }
0x28: {  	s2 =	sld [smem:$0x3F9E]  }
0x29: {  	s4 =	sld [smem:$0x3FA0]  }
0x2a: {  	p0 =	seq.s32 s5, $0x0;
	s5 =	sld [smem:$0x3FA1]  }
0x2b: {  	s6 =	sld [smem:$0x3FA2]  }
0x2c: {  	s7 =	sld [smem:$0x3FA3]  }
0x2d: {  	s3 =	simm.s32 $0x108;
	s8 =	sld [smem:$0x3FA4]  }
0x2e: {  	s3 =	simm.s32 @!p0 $0x1082;
	s9 =	sld [smem:$0x3FA5]  }
0x2f: {  	lr =	sadd.s32 s0, s3;
	s0 =	sld [smem:$0x3F9C]  }
0x30: {  	s3 =	sld [smem:$0x3F9F]  }
0x31: {  	[smem:$0x3FA8] =	sst s10  }
0x32: {  	s10 =	sld [smem:$0x3FA6];
	_ =	sdelay $0x3  }
0x33: {  	p0 =	seq.s32 s10, $0x1;
	s10 =	sld [smem:$0x3FA8];
	_ =	sdelay $0x3  }
0x34: {  	[smem:$0x3FA8] =	sst s10  }
0x35: {  	s10 =	sld [smem:$0x3FA7];
	_ =	sdelay $0x3  }
0x36: {  	p1 =	seq.s32 s10, $0x1;
	s10 =	sld [smem:$0x3FA8];
	_ =	sdelay $0x3  }
0x37: {  	[smem:$0x3FA8] =	sst s10  }
0x38: {  	s10 =	sld [smem:$0x3FA9]  }
0x39: {  	_ = 	snop;
	(pc) =	sbr.ind lr, $3  }
0x3a: {  	_ = 	snop  }
0x3b: {  	_ = 	snop  }
0x3c: {  	p2 =	seq.s32 s10, $0x1;
	s10 =	sld [smem:$0x3FA8]  }
0x3d: {  	_ =	shalt  }
0x3e: {  	_ =	shalt  }
0x3f: {  	_ =	shalt  }
0x40: {  	_ =	shalt  }
0x41: {  	_ =	shalt  }
0x42: {  	_ =	shalt  }
0x43: {  	_ =	shalt  }
0x44: {  	_ =	shalt  }
0x45: {  	_ =	shalt  }
0x46: {  	_ =	shalt  }
0x47: {  	_ =	shalt  }
0x48: {  	_ =	shalt  }
0x49: {  	_ =	shalt  }
0x4a: {  	_ =	shalt  }
0x4b: {  	_ =	shalt  }
0x4c: {  	_ =	shalt  }
0x4d: {  	_ =	shalt  }
0x4e: {  	_ =	shalt  }
0x4f: {  	_ =	shalt  }
0x50: {  	_ =	shalt  }
0x51: {  	_ =	shalt  }
0x52: {  	_ =	shalt  }
0x53: {  	_ =	shalt  }
0x54: {  	_ =	shalt  }
0x55: {  	_ =	shalt  }
0x56: {  	_ =	shalt  }
0x57: {  	_ =	shalt  }
0x58: {  	_ =	shalt  }
0x59: {  	_ =	shalt  }
0x5a: {  	_ =	shalt  }
0x5b: {  	_ =	shalt  }
0x5c: {  	_ =	shalt  }
0x5d: {  	_ =	shalt  }
0x5e: {  	_ =	shalt  }
0x5f: {  	_ =	shalt  }
0x60: {  	_ =	shalt  }
0x61: {  	_ =	shalt  }
0x62: {  	_ =	shalt  }
0x63: {  	_ =	shalt  }
0x64: {  	_ =	shalt  }
0x65: {  	_ =	shalt  }
0x66: {  	_ =	shalt  }
0x67: {  	_ =	shalt  }
0x68: {  	_ =	shalt  }
0x69: {  	_ =	shalt  }
0x6a: {  	_ =	shalt  }
0x6b: {  	_ =	shalt  }
0x6c: {  	_ =	shalt  }
0x6d: {  	_ =	shalt  }
0x6e: {  	_ =	shalt  }
0x6f: {  	_ =	shalt  }
0x70: {  	_ =	shalt  }
0x71: {  	_ =	shalt  }
0x72: {  	_ =	shalt  }
0x73: {  	_ =	shalt  }
0x74: {  	_ =	shalt  }
0x75: {  	_ =	shalt  }
0x76: {  	_ =	shalt  }
0x77: {  	_ =	shalt  }
0x78: {  	_ =	shalt  }
0x79: {  	_ =	shalt  }
0x7a: {  	_ =	shalt  }
0x7b: {  	_ =	shalt  }
0x7c: {  	_ =	shalt  }
0x7d: {  	_ =	shalt  }
0x7e: {  	_ =	shalt  }
0x7f: {  	_ =	shalt  }
0x80: {  	_ =	shalt  }
0x81: {  	_ =	shalt  }
0x82: {  	_ =	shalt  }
0x83: {  	_ =	shalt  }
0x84: {  	_ =	shalt  }
0x85: {  	_ =	shalt  }
0x86: {  	_ =	shalt  }
0x87: {  	_ =	shalt  }
.Lfunc_end0:
.L_simem_size_0:
called_computation.1_lowered:
.L_overlay_start_0:
0x88: {  	s2 =	sld [smem:$0x3FD9]  }
0x89: {  	s3 =	sld [smem:$0x3FFE];
	_ =	sdelay $0x1  }
0x8a: {  	s1 =	srdreg.scid  }
0x8b: {  	s0 =	sand.u32 $0x1, s1  }
0x8c: {  	s16 =	sshll.u32 s0, $0xA;
	s2 =	sadd.s32 s3, s2  }
0x8d: {  	s2 =	sadd.s32 s2, s16  }
0x8e: {  	[smem:$0x3FB4] =	sst s2  }
0x8f: {  	_ = 	snop  }
0x90: {  	(tm) =	ssettm $0x1  }
0x91: {  	s17 =	sld [smem:$0x3FFB];
	_ =	sdelay $0x3  }
0x92: {  	_ =	strace s17  }
0x93: {  	s2 =	sld [smem:$0x3FFC];
	_ =	sdelay $0x3  }
0x94: {  	_ =	strace s2  }
0x95: {  	s2 =	sld [smem:$0x3FFD];
	_ =	sdelay $0x3  }
0x96: {  	_ =	strace s2  }
0x97: {  	_ =	strace $0x8FFFFFFF  }
0x98: {  	s18 =	sld [smem:$0x3FDB];
	_ =	sdelay $0x1  }
0x99: {  	s19 =	simm.s32 $_scs_section_size  }
0x9a: {  	s4 =	simm.s32 $_size__tile_overlayer_lowered;
	s5 =	simm.s32 $_tile_overlayer_lowered  }
0x9b: {  	s22 =	simm.s32 $0x1BFF;
	s21 =	sshll.u32 s5, $0x1;
	s2 =	sadd.s32 s19, s18  }
0x9c: {  	s6 =	simm.s32 $0x0;
	s20 =	sshll.u32 s4, $0x1;
	s4 =	sadd.s32 s21, s2  }
0x9d: {  	[timem:s6], [sflag:s22] =	dma.local [hbm:s4], s20  }
0x9e: {  	_ =	swait.ge [sflag:s22], s20  }
0x9f: {  	s3 =	ssub.s32 $0x0, s20;
	[sflag:s22] =	ssyncset.done $0x0  }
0xa0: {  	[sflag:s22] =	ssyncadd.s32 s3;
	_ =	sdelay $0x1  }
0xa1: {  	s23 =	simm.s32 $0x1B8B  }
0xa2: {  	_ =	swait.ge [sflag:s23], $0x1  }
0xa3: {  	[sflag:s23] =	ssyncset.done $0x0  }
0xa4: {  	s25 =	simm.s32 $0x1B8E;
	s24 =	sld [smem:$0x3FFE];
	[sflag:s23] =	ssyncadd.s32 $0xFFFFFFFF  }
0xa5: {  	s26 =	simm.s32 $execute0_lowered;
	[smem:$0x3FD2] =	sst s25  }
0xa6: {  	s4 =	sshll.u32 s26, $0x1;
	_ =	strace $0x80000049;
	[dreg:$0x1] =	wrdreg $0xFFFFFFFF  }
0xa7: {  	s28 =	simm.s32 $_size_execute0_lowered;
	s2 =	sadd.s32 s2, s4;
	[dreg:$0x0] =	wrdreg $0x0  }
0xa8: {  	s4 =	sshll.u32 s28, $0x1;
	[dreg:$0x2] =	wrdreg s2  }
0xa9: {  	[dreg:$0x3] =	wrdreg s4  }
0xaa: {  	[dreg:$0x4] =	wrdreg $0xC0  }
0xab: {  	_ =	task [dreg:s6], $0x5FFFF  }
0xac: {  	[dreg:$0x1] =	wrdreg $0xFFFFFFFF  }
0xad: {  	[dreg:$0x0] =	wrdreg $0x60  }
0xae: {  	[dreg:$0x2] =	wrdreg s24  }
0xaf: {  	[dreg:$0x3] =	wrdreg $0x9  }
0xb0: {  	_ =	task.clear_ibuf [dreg:s6], $0x4FFFF;
	_ =	strace $0x90000049  }
0xb1: {  	s29 =	simm.s32 $0x9;
	_ =	strace $0x8000004B  }
0xb2: {  	_ =	swait.ge [sflag:s29], $0x1  }
0xb3: {  	[sflag:s29] =	ssyncadd.s32 $0xFFFFFFFF  }
0xb4: {  	_ =	strace $0x9000004B  }
0xb5: {  	_ =	sfence  }
0xb6: {  	s30 =	sld [smem:$0x0];
	_ =	sdelay $0x2  }
0xb7: {  	s31 =	sshll.u32 s1, $0xD;
	s1 =	sshrl.u32 s1, $0x2  }
0xb8: {  	s3 =	sand.u32 $0x4000, s31;
	s1 =	sadd.s32 s1, s30  }
0xb9: {  	s0 =	sor.u32 s3, s0;
	s1 =	sshll.u32 s1, $0x11  }
0xba: {  	s0 =	sor.u32 s1, s0  }
0xbb: {  	s0 =	sadd.s32 $0x8F2B, s0  }
0xbc: {  	[sflag:s0] =	ssyncadd.remote.s32 $0x1  }
0xbd: {  	_ =	sfence.sel $0xFFFF  }
0xbe: {  	[dreg:$0x0] =	wrdreg $0xFFFFFFFF;
	(pc) =	sbr.abs _section_cstart, $3  }
0xbf: {  	[dreg:$0x1] =	wrdreg $0xFFFFFFFF  }
0xc0: {  	_ =	task.clear_ibuf [dreg:s6], $0x2FFFF;
	_ =	strace $0x9FFFFFFF  }
0xc1: {  	(tm) =	ssettm $0x7FFFFFFF  }
tec
execute0_lowered:
.L_overlay_start_1:
0x0: {  	(tag) =	ssettag $0x1  }
0x1: {  	s4 =	srdreg.scid  }
0x2: {  	s1 =	stileid.u32;
	s4 =	sand.u32 $0x1, s4  }
0x3: {  	s5 =	sshll.u32 s1, $0x5;
	s7 =	sshll.u32 s4, $0x4;
	s4 =	ssub.s32 $0x2, s4  }
0x4: {  	s3 =	rddreg [dreg:$0x0];
	s5 =	sor.u32 s7, s5;
	s30 =	sshrl.u32 s4, $0x1  }
0x5: {  	s6 =	sadd.s32 $0x5400, s3;
	s3 =	sadd.s32 s5, s3;
	s5 =	ssub.s32 s4, s30  }
0x6: {  	s11 =	smax.u32 s5, $0x1  }
0x7: {  	p1 =	sne.s32 s11, $0x1  }
.Ltmp0:
0x8: {  	s0 =	rddreg [dreg:$0x1];
	s2 =	simm.s32 $0x0;
	(pc) =	sbr.rel @!p1 .LBB2_3-.Ltmp0, $4  }
0x9: {  	s8 =	simm.s32 $0x80;
	[smem:$0x7FF] =	sst s2;
	s31 =	sshrl.u32 s1, $0x3  }
0xa: {  	p0 =	por $0x0, $0x0;
	_ =	strace $0x8000004A;
	s10 =	smul.u32 $0x320000, s31  }
0xb: {  	s7 =	simm.s32 $0x1;
	s9 =	sadd.s32 $0x5200, s3;
	s4 =	sadd.s32 $0xCD400, s3  }
0xc: {  	v0 =	vmov s10;
	s3 =	simm.s32 $0x2;
	s5 =	simm.s32 $0x100;
	s10 =	sadd.s32 $0xFFFFFFFF, s11  }
0xd: {  	[tilespmem:s2], [sflag:$0x2] =	stream.linear.gather [hbm4b:s9+s2], $0x80, $0x38;
	[tilespmem:$0x180] =	vst v63  }
0xe: {  	_ =	swait.ge [sflag:s3], $0x80  }
0xf: {  	[sflag:s3] =	ssyncset.done $0x0  }
0x10: {  	[sflag:s3] =	ssyncadd.s32 $0xFFFFFF80  }
0x11: {  	v1 =	vld [tilespmem:$0x70]  }
0x12: {  	v2 =	vld [tilespmem:$0x60]  }
0x13: {  	v3 =	vld [tilespmem:$0x20]  }
0x14: {  	v4 =	vld [tilespmem:$0x30]  }
0x15: {  	v7 =	vld [tilespmem:$0x0]  }
0x16: {  	v5 =	vld [tilespmem:$0x40];
	v1 =	vadd.s32 v0, v1  }
0x17: {  	v6 =	vld [tilespmem:$0x50];
	v2 =	vadd.s32 v0, v2;
	[tilespmem:$0x70] =	vst v1  }
0x18: {  	v3 =	vadd.s32 v0, v3;
	v1 =	vld [tilespmem:$0x10];
	[tilespmem:$0x60] =	vst v2  }
0x19: {  	[tilespmem:$0x20] =	vst v3;
	v2 =	vadd.s32 v0, v4  }
0x1a: {  	v3 =	vadd.s32 v0, v7;
	[tilespmem:$0x30] =	vst v2  }
0x1b: {  	v2 =	vadd.s32 v0, v5;
	[tilespmem:$0x0] =	vst v3  }
0x1c: {  	[tilespmem:$0x40] =	vst v2;
	v2 =	vadd.s32 v0, v6  }
0x1d: {  	[tilespmem:$0x50] =	vst v2;
	v1 =	vadd.s32 v0, v1  }
0x1e: {  	[tilespmem:$0x10] =	vst v1  }
0x1f: {  	[tilespmem:s8], [sflag:$0x1] =	stream.indirect.gather [hbm4b:s6+s8], $0x1, s2, s8, $0xb8;
	[tilespmem:$0x180] =	vst v63  }
0x20: {  	_ =	swait.ge [sflag:s7], $0x80  }
0x21: {  	[sflag:s7] =	ssyncset.done $0x0  }
0x22: {  	[sflag:s7] =	ssyncadd.s32 $0xFFFFFF80  }
0x23: {  	v1 =	vld [tilespmem:$0x80]  }
0x24: {  	v2 =	vld [tilespmem:$0x90]  }
0x25: {  	v3 =	vld [tilespmem:$0xB0]  }
0x26: {  	v61 =	vld [tilespmem:$0xA0]  }
0x27: {  	v60 =	vld [tilespmem:$0xD0]  }
0x28: {  	v59 =	vld [tilespmem:$0xC0];
	v1 =	vcvt.s32.f32 v1  }
0x29: {  	v62 =	vld [tilespmem:$0xE0];
	v2 =	vcvt.s32.f32 v2  }
0x2a: {  	p1 =	sne.s32 s10, $0x1;
	[tilespmem:$0x100] =	vst v1;
	v1 =	vcvt.s32.f32 v3;
	v3 =	vld [tilespmem:$0xF0]  }
.Ltmp1:
0x2b: {  	v63 =	vcvt.s32.f32 v61;
	[tilespmem:$0x110] =	vst v2;
	(pc) =	sbr.rel @!p1 .LBB2_3-.Ltmp1, $4  }
0x2c: {  	[tilespmem:$0x130] =	vst v1;
	v1 =	vcvt.s32.f32 v60  }
0x2d: {  	v2 =	vcvt.s32.f32 v59;
	[tilespmem:$0x120] =	vst v63  }
0x2e: {  	[tilespmem:$0x150] =	vst v1;
	v1 =	vcvt.s32.f32 v62  }
0x2f: {  	s10 =	sadd.s32 $0xFFFFFFFF, s10;
	p0 =	por $0x1, $0x1;
	[tilespmem:$0x140] =	vst v2;
	v2 =	vcvt.s32.f32 v3  }
.LBB2_2:
0x30: {  	p1 =	sne.s32 s10, $0x1;
	s10 =	sadd.s32 $0xFFFFFFFF, s10;
	[tilespmem:$0x160] =	vst v1  }
0x31: {  	[tilespmem:$0x170] =	vst v2  }
0x32: {  	[hbm4b:s4+s2] =	stream.linear.scatter [tilespmem:s5], [sflag:$0x2], $0x80, $0x38;
	[tilespmem:$0x180] =	vst v63  }
0x33: {  	_ =	swait.ge [sflag:s3], $0x80  }
0x34: {  	[sflag:s3] =	ssyncset.done $0x0  }
0x35: {  	[sflag:s3] =	ssyncadd.s32 $0xFFFFFF80  }
0x36: {  	[tilespmem:s2], [sflag:$0x2] =	stream.linear.gather [hbm4b:s9+s2], $0x80, $0x38;
	[tilespmem:$0x180] =	vst v63  }
0x37: {  	_ =	swait.ge [sflag:s3], $0x80  }
0x38: {  	[sflag:s3] =	ssyncset.done $0x0  }
0x39: {  	[sflag:s3] =	ssyncadd.s32 $0xFFFFFF80  }
0x3a: {  	v1 =	vld [tilespmem:$0x70]  }
0x3b: {  	v2 =	vld [tilespmem:$0x60]  }
0x3c: {  	v3 =	vld [tilespmem:$0x20]  }
0x3d: {  	v4 =	vld [tilespmem:$0x30]  }
0x3e: {  	v5 =	vld [tilespmem:$0x40]  }
0x3f: {  	v6 =	vld [tilespmem:$0x50];
	v1 =	vadd.s32 v0, v1  }
0x40: {  	v7 =	vld [tilespmem:$0x0];
	v2 =	vadd.s32 v0, v2;
	[tilespmem:$0x70] =	vst v1  }
0x41: {  	v1 =	vld [tilespmem:$0x10];
	v3 =	vadd.s32 v0, v3;
	[tilespmem:$0x60] =	vst v2  }
0x42: {  	[tilespmem:$0x20] =	vst v3;
	v2 =	vadd.s32 v0, v4  }
0x43: {  	[tilespmem:$0x30] =	vst v2;
	v2 =	vadd.s32 v0, v5  }
0x44: {  	[tilespmem:$0x40] =	vst v2;
	v2 =	vadd.s32 v0, v6  }
0x45: {  	v3 =	vadd.s32 v0, v7;
	[tilespmem:$0x50] =	vst v2  }
0x46: {  	[tilespmem:$0x0] =	vst v3;
	v1 =	vadd.s32 v0, v1  }
0x47: {  	[tilespmem:$0x10] =	vst v1  }
0x48: {  	[tilespmem:s8], [sflag:$0x1] =	stream.indirect.gather [hbm4b:s6+s8], $0x1, s2, s8, $0xb8;
	[tilespmem:$0x180] =	vst v63  }
0x49: {  	_ =	swait.ge [sflag:s7], $0x80  }
0x4a: {  	[sflag:s7] =	ssyncset.done $0x0  }
0x4b: {  	[sflag:s7] =	ssyncadd.s32 $0xFFFFFF80  }
0x4c: {  	v1 =	vld [tilespmem:$0x80]  }
0x4d: {  	v2 =	vld [tilespmem:$0x90]  }
0x4e: {  	v3 =	vld [tilespmem:$0xB0]  }
0x4f: {  	v4 =	vld [tilespmem:$0xC0]  }
0x50: {  	v5 =	vld [tilespmem:$0xD0]  }
0x51: {  	v1 =	vcvt.s32.f32 v1;
	v6 =	vld [tilespmem:$0xA0]  }
0x52: {  	v2 =	vcvt.s32.f32 v2;
	v7 =	vld [tilespmem:$0xE0]  }
0x53: {  	[tilespmem:$0x100] =	vst v1;
	v1 =	vcvt.s32.f32 v3;
	v3 =	vld [tilespmem:$0xF0]  }
.Ltmp2:
0x54: {  	[tilespmem:$0x110] =	vst v2;
	v2 =	vcvt.s32.f32 v4;
	(pc) =	sbr.rel @p1 .LBB2_2-.Ltmp2, $4  }
0x55: {  	[tilespmem:$0x130] =	vst v1;
	v1 =	vcvt.s32.f32 v5  }
0x56: {  	v4 =	vcvt.s32.f32 v6;
	[tilespmem:$0x140] =	vst v2  }
0x57: {  	[tilespmem:$0x150] =	vst v1;
	v1 =	vcvt.s32.f32 v7  }
0x58: {  	[tilespmem:$0x120] =	vst v4;
	v2 =	vcvt.s32.f32 v3  }
.LBB2_3:
0x59: {  	[tilespmem:$0x160] =	vst @p0 v1  }
0x5a: {  	[tilespmem:$0x170] =	vst @p0 v2  }
0x5b: {  	[hbm4b:s4+s2] =	stream.linear.scatter @p0 [tilespmem:s5], [sflag:$0x2], $0x80, $0x38;
	[tilespmem:$0x180] =	vst v63  }
0x5c: {  	_ =	swait.ge @p0 [sflag:s3], $0x80  }
0x5d: {  	[sflag:s3] =	ssyncset.done @p0 $0x0  }
0x5e: {  	[sflag:s3] =	ssyncadd.s32 @p0 $0xFFFFFF80  }
0x5f: {  	[tilespmem:s2], [sflag:$0x2] =	stream.linear.gather [hbm4b:s9+s2], $0x80, $0x38;
	[tilespmem:$0x180] =	vst v63  }
0x60: {  	_ =	swait.ge [sflag:s3], $0x80  }
0x61: {  	[sflag:s3] =	ssyncset.done $0x0  }
0x62: {  	[sflag:s3] =	ssyncadd.s32 $0xFFFFFF80  }
0x63: {  	v42 =	vld [tilespmem:$0x70]  }
0x64: {  	v43 =	vld [tilespmem:$0x60]  }
0x65: {  	v3 =	vld [tilespmem:$0x20]  }
0x66: {  	v4 =	vld [tilespmem:$0x30]  }
0x67: {  	v5 =	vld [tilespmem:$0x40]  }
0x68: {  	v6 =	vld [tilespmem:$0x50];
	v1 =	vadd.s32 v0, v42  }
0x69: {  	v7 =	vld [tilespmem:$0x0];
	v2 =	vadd.s32 v0, v43;
	[tilespmem:$0x70] =	vst v1  }
0x6a: {  	v44 =	vld [tilespmem:$0x10];
	v3 =	vadd.s32 v0, v3;
	[tilespmem:$0x60] =	vst v2  }
0x6b: {  	v45 =	vadd.s32 v0, v4;
	[tilespmem:$0x20] =	vst v3  }
0x6c: {  	v46 =	vadd.s32 v0, v5;
	[tilespmem:$0x30] =	vst v45  }
0x6d: {  	v47 =	vadd.s32 v0, v6;
	[tilespmem:$0x40] =	vst v46  }
0x6e: {  	v48 =	vadd.s32 v0, v7;
	[tilespmem:$0x50] =	vst v47  }
0x6f: {  	v49 =	vadd.s32 v0, v44;
	[tilespmem:$0x0] =	vst v48  }
0x70: {  	[tilespmem:$0x10] =	vst v49  }
0x71: {  	[tilespmem:s8], [sflag:$0x1] =	stream.indirect.gather [hbm4b:s6+s8], $0x1, s2, s8, $0xb8;
	[tilespmem:$0x180] =	vst v63  }
0x72: {  	_ =	swait.ge [sflag:s7], $0x80  }
0x73: {  	[sflag:s7] =	ssyncset.done $0x0  }
0x74: {  	[sflag:s7] =	ssyncadd.s32 $0xFFFFFF80  }
0x75: {  	v50 =	vld [tilespmem:$0x80]  }
0x76: {  	v51 =	vld [tilespmem:$0x90]  }
0x77: {  	v52 =	vld [tilespmem:$0xB0]  }
0x78: {  	v53 =	vld [tilespmem:$0xC0]  }
0x79: {  	v54 =	vld [tilespmem:$0xD0]  }
0x7a: {  	v55 =	vld [tilespmem:$0xA0];
	v0 =	vcvt.s32.f32 v50  }
0x7b: {  	v56 =	vld [tilespmem:$0xE0];
	v1 =	vcvt.s32.f32 v51  }
0x7c: {  	v58 =	vld [tilespmem:$0xF0];
	v57 =	vcvt.s32.f32 v52;
	[tilespmem:$0x100] =	vst v0  }
0x7d: {  	v59 =	vcvt.s32.f32 v53;
	[tilespmem:$0x110] =	vst v1  }
0x7e: {  	v60 =	vcvt.s32.f32 v54;
	[tilespmem:$0x130] =	vst v57  }
0x7f: {  	v61 =	vcvt.s32.f32 v55;
	[tilespmem:$0x140] =	vst v59  }
0x80: {  	v62 =	vcvt.s32.f32 v56;
	[tilespmem:$0x150] =	vst v60  }
0x81: {  	v63 =	vcvt.s32.f32 v58;
	[tilespmem:$0x120] =	vst v61  }
0x82: {  	[tilespmem:$0x160] =	vst v62  }
0x83: {  	[tilespmem:$0x170] =	vst v63  }
0x84: {  	[hbm4b:s4+s2] =	stream.linear.scatter [tilespmem:s5], [sflag:$0x2], $0x80, $0x38;
	[tilespmem:$0x180] =	vst v63  }
0x85: {  	_ =	swait.ge [sflag:s3], $0x80  }
0x86: {  	[sflag:s3] =	ssyncset.done $0x0  }
0x87: {  	[sflag:s3] =	ssyncadd.s32 $0xFFFFFF80  }
0x88: {  	_ =	sfence.sel $0x180000  }
0x89: {  	[bflag:$0x0] =	sbarrier.arrive $0xFFFF  }
0x8a: {  	p0 =	sne.s32 s1, $0x0;
	_ =	strace $0x9000004A  }
0x8b: {  	s0 =	sadd.s32 @!p0 $0x100000, s0;
	[bflag:$0x2] =	sbarrier.arrive $0xFFFF  }
0x8c: {  	[sflag:s0] =	ssyncadd.tile.s32 @!p0 $0x1;
	_ =	shalt  }
.Lfunc_end2:
_tile_overlayer_lowered:
.L_overlay_start_2:
0x8d: {  	(tag) =	ssettag $0x2  }
0x8e: {  	s0 =	rddreg [dreg:$0x0];
	s2 =	stileid.u32  }
0x8f: {  	s1 =	rddreg [dreg:$0x1];
	p0 =	sne.s32 s2, $0x0  }
0x90: {  	s3 =	rddreg [dreg:$0x2];
	[bflag:$0x3] =	sbarrier.arrive $0xFFFF;
	s2 =	simm.s32 @!p0 $0x1C02  }
0x91: {  	[timem:s3], [sflag:s2] =	dma.local @!p0 [hbm:s0], s1  }
0x92: {  	s0 =	simm.s32 @!p0 $0x2  }
0x93: {  	_ =	swait.ge @!p0 [sflag:s0], s1  }
0x94: {  	s1 =	ssub.s32 @!p0 $0x0, s1;
	[sflag:s0] =	ssyncset.done @!p0 $0x0  }
0x95: {  	[sflag:s0] =	ssyncadd.s32 @!p0 s1  }
0x96: {  	[bflag:$0x3] =	sbarrier.arrive $0xFFFF  }
0x97: {  	_ =	shalt  }

// kernel: kernel.15.cloned.1.call-start
scs
__scs_entry_jumppad:
0x0: {  	(pc) =	sbr.rel $0x88, $3  }
0x1: {  	(tag) =	ssettag $0x0;
	lr =	simm.s32 $0x1  }
0x2: {  	[smem:$0x3F8D] =	sst lr;
	_ =	strace $0xD0000000  }
0x3: {  	_ = 	snop  }
0x4: {  	_ = 	snop  }
0x5: {  	_ = 	snop  }
0x6: {  	_ = 	snop  }
0x7: {  	_ = 	snop  }
__scs_overlays_trampoline_lowered:
0x8: {  	[smem:$0x3F9C] =	sst s0  }
0x9: {  	[smem:$0x3F9D] =	sst s1  }
0xa: {  	[smem:$0x3F9E] =	sst s2  }
0xb: {  	[smem:$0x3F9F] =	sst s3  }
0xc: {  	[smem:$0x3FA0] =	sst s4  }
0xd: {  	[smem:$0x3FA1] =	sst s5  }
0xe: {  	[smem:$0x3FA2] =	sst s6  }
0xf: {  	[smem:$0x3FA3] =	sst s7  }
0x10: {  	[smem:$0x3FA4] =	sst s8  }
0x11: {  	[smem:$0x3FA5] =	sst s9;
	s0 =	simm.s32 @!p0 $0x0  }
0x12: {  	s1 =	sld [smem:$0x3F8B];
	s0 =	simm.s32 @p0 $0x1  }
0x13: {  	[smem:$0x3FA6] =	sst s0;
	s0 =	simm.s32 @!p1 $0x0  }
0x14: {  	s2 =	sld [smem:$0x3F8A];
	s0 =	simm.s32 @p1 $0x1  }
0x15: {  	[smem:$0x3FA7] =	sst s0;
	s0 =	simm.s32 @!p2 $0x0  }
0x16: {  	s3 =	sld [smem:$0x3FDB];
	s0 =	simm.s32 @p2 $0x1  }
0x17: {  	s4 =	simm.s32 $0x1BF5;
	[smem:$0x3FA9] =	sst s0  }
0x18: {  	s0 =	sld [smem:$0x3F8C];
	_ =	swait.ge [sflag:s4], $0x0  }
0x19: {  	s7 =	sld [smem:$0x3F8D]  }
0x1a: {  	s8 =	sadd.s32 $0xFFFFE003, lr  }
0x1b: {  	s9 =	sadd.s32 $0xFFFFFEF7, lr;
	s5 =	simm.s32 $0xFFFFFFFF;
	p2 =	slt.u32 s8, $0xFFFFF086  }
0x1c: {  	p1 =	slt.u32 s9, $0xF7A;
	s5 =	simm.s32 @!p2 $0x0  }
0x1d: {  	s5 =	simm.s32 @p1 $0x1;
	p0 =	seq.s32 s7, s2  }
0x1e: {  	s7 =	smul.u32 @!p0 $0xF7A, s2;
	p2 =	seq.s32 @!p0 s5, $0x0  }
0x1f: {  	s9 =	smul.u32 $0xF7A, s1;
	s8 =	simm.s32 @!p0 $0x1BF5;
	p2 =	por !p2, p0  }
0x20: {  	[sflag:s8] =	ssyncset.s32 @!p0 $0xFFFFF086;
	s6 =	sadd.s32 @!p0 s3, s7;
	s7 =	simm.s32 @!p0 $0x108  }
0x21: {  	s3 =	sadd.s32 s3, s9;
	s6 =	sadd.s32 @!p0 $0x88, s6;
	s7 =	simm.s32 @p2 $0x1082  }
0x22: {  	[simem:s7], [sflag:s8] =	dma.local @!p0 [hbm:s6], $0xF7A  }
0x23: {  	s9 =	sor.u32 $0xD0000000, s2;
	s6 =	simm.s32 $0x108;
	_ =	swait.ge @!p0 [sflag:s8], $0x0  }
0x24: {  	s3 =	sadd.s32 $0x88, s3;
	s6 =	simm.s32 @!p1 $0x1082;
	[sflag:s4] =	ssyncset.s32 $0xFFFFF086  }
0x25: {  	[simem:s6], [sflag:s4] =	dma.local [hbm:s3], $0xF7A  }
0x26: {  	[smem:$0x3F8D] =	sst s1;
	(tag) =	ssettag s2;
	_ =	strace s9  }
0x27: {  	s1 =	sld [smem:$0x3F9D]  }
0x28: {  	s2 =	sld [smem:$0x3F9E]  }
0x29: {  	s4 =	sld [smem:$0x3FA0]  }
0x2a: {  	p0 =	seq.s32 s5, $0x0;
	s5 =	sld [smem:$0x3FA1]  }
0x2b: {  	s6 =	sld [smem:$0x3FA2]  }
0x2c: {  	s7 =	sld [smem:$0x3FA3]  }
0x2d: {  	s3 =	simm.s32 $0x108;
	s8 =	sld [smem:$0x3FA4]  }
0x2e: {  	s3 =	simm.s32 @!p0 $0x1082;
	s9 =	sld [smem:$0x3FA5]  }
0x2f: {  	lr =	sadd.s32 s0, s3;
	s0 =	sld [smem:$0x3F9C]  }
0x30: {  	s3 =	sld [smem:$0x3F9F]  }
0x31: {  	[smem:$0x3FA8] =	sst s10  }
0x32: {  	s10 =	sld [smem:$0x3FA6];
	_ =	sdelay $0x3  }
0x33: {  	p0 =	seq.s32 s10, $0x1;
	s10 =	sld [smem:$0x3FA8];
	_ =	sdelay $0x3  }
0x34: {  	[smem:$0x3FA8] =	sst s10  }
0x35: {  	s10 =	sld [smem:$0x3FA7];
	_ =	sdelay $0x3  }
0x36: {  	p1 =	seq.s32 s10, $0x1;
	s10 =	sld [smem:$0x3FA8];
	_ =	sdelay $0x3  }
0x37: {  	[smem:$0x3FA8] =	sst s10  }
0x38: {  	s10 =	sld [smem:$0x3FA9]  }
0x39: {  	_ = 	snop;
	(pc) =	sbr.ind lr, $3  }
0x3a: {  	_ = 	snop  }
0x3b: {  	_ = 	snop  }
0x3c: {  	p2 =	seq.s32 s10, $0x1;
	s10 =	sld [smem:$0x3FA8]  }
0x3d: {  	_ =	shalt  }
0x3e: {  	_ =	shalt  }
0x3f: {  	_ =	shalt  }
0x40: {  	_ =	shalt  }
0x41: {  	_ =	shalt  }
0x42: {  	_ =	shalt  }
0x43: {  	_ =	shalt  }
0x44: {  	_ =	shalt  }
0x45: {  	_ =	shalt  }
0x46: {  	_ =	shalt  }
0x47: {  	_ =	shalt  }
0x48: {  	_ =	shalt  }
0x49: {  	_ =	shalt  }
0x4a: {  	_ =	shalt  }
0x4b: {  	_ =	shalt  }
0x4c: {  	_ =	shalt  }
0x4d: {  	_ =	shalt  }
0x4e: {  	_ =	shalt  }
0x4f: {  	_ =	shalt  }
0x50: {  	_ =	shalt  }
0x51: {  	_ =	shalt  }
0x52: {  	_ =	shalt  }
0x53: {  	_ =	shalt  }
0x54: {  	_ =	shalt  }
0x55: {  	_ =	shalt  }
0x56: {  	_ =	shalt  }
0x57: {  	_ =	shalt  }
0x58: {  	_ =	shalt  }
0x59: {  	_ =	shalt  }
0x5a: {  	_ =	shalt  }
0x5b: {  	_ =	shalt  }
0x5c: {  	_ =	shalt  }
0x5d: {  	_ =	shalt  }
0x5e: {  	_ =	shalt  }
0x5f: {  	_ =	shalt  }
0x60: {  	_ =	shalt  }
0x61: {  	_ =	shalt  }
0x62: {  	_ =	shalt  }
0x63: {  	_ =	shalt  }
0x64: {  	_ =	shalt  }
0x65: {  	_ =	shalt  }
0x66: {  	_ =	shalt  }
0x67: {  	_ =	shalt  }
0x68: {  	_ =	shalt  }
0x69: {  	_ =	shalt  }
0x6a: {  	_ =	shalt  }
0x6b: {  	_ =	shalt  }
0x6c: {  	_ =	shalt  }
0x6d: {  	_ =	shalt  }
0x6e: {  	_ =	shalt  }
0x6f: {  	_ =	shalt  }
0x70: {  	_ =	shalt  }
0x71: {  	_ =	shalt  }
0x72: {  	_ =	shalt  }
0x73: {  	_ =	shalt  }
0x74: {  	_ =	shalt  }
0x75: {  	_ =	shalt  }
0x76: {  	_ =	shalt  }
0x77: {  	_ =	shalt  }
0x78: {  	_ =	shalt  }
0x79: {  	_ =	shalt  }
0x7a: {  	_ =	shalt  }
0x7b: {  	_ =	shalt  }
0x7c: {  	_ =	shalt  }
0x7d: {  	_ =	shalt  }
0x7e: {  	_ =	shalt  }
0x7f: {  	_ =	shalt  }
0x80: {  	_ =	shalt  }
0x81: {  	_ =	shalt  }
0x82: {  	_ =	shalt  }
0x83: {  	_ =	shalt  }
0x84: {  	_ =	shalt  }
0x85: {  	_ =	shalt  }
0x86: {  	_ =	shalt  }
0x87: {  	_ =	shalt  }
.Lfunc_end0:
.L_simem_size_0:
called_computation.2_lowered:
.L_overlay_start_0:
0x88: {  	s2 =	sld [smem:$0x3FD9]  }
0x89: {  	s3 =	sld [smem:$0x3FFE];
	_ =	sdelay $0x1  }
0x8a: {  	s1 =	srdreg.scid  }
0x8b: {  	s0 =	sand.u32 $0x1, s1  }
0x8c: {  	s16 =	sshll.u32 s0, $0xA;
	s2 =	sadd.s32 s3, s2  }
0x8d: {  	s2 =	sadd.s32 s2, s16  }
0x8e: {  	[smem:$0x3FB4] =	sst s2  }
0x8f: {  	_ = 	snop  }
0x90: {  	(tm) =	ssettm $0x1  }
0x91: {  	s17 =	sld [smem:$0x3FFB];
	_ =	sdelay $0x3  }
0x92: {  	_ =	strace s17  }
0x93: {  	s2 =	sld [smem:$0x3FFC];
	_ =	sdelay $0x3  }
0x94: {  	_ =	strace s2  }
0x95: {  	s2 =	sld [smem:$0x3FFD];
	_ =	sdelay $0x3  }
0x96: {  	_ =	strace s2  }
0x97: {  	_ =	strace $0x8FFFFFFF  }
0x98: {  	s18 =	sld [smem:$0x3FDB];
	_ =	sdelay $0x1  }
0x99: {  	s19 =	simm.s32 $_scs_section_size  }
0x9a: {  	s4 =	simm.s32 $_size__tile_overlayer_lowered;
	s5 =	simm.s32 $_tile_overlayer_lowered  }
0x9b: {  	s22 =	simm.s32 $0x1BFF;
	s21 =	sshll.u32 s5, $0x1;
	s2 =	sadd.s32 s19, s18  }
0x9c: {  	s6 =	simm.s32 $0x0;
	s20 =	sshll.u32 s4, $0x1;
	s4 =	sadd.s32 s21, s2  }
0x9d: {  	[timem:s6], [sflag:s22] =	dma.local [hbm:s4], s20  }
0x9e: {  	_ =	swait.ge [sflag:s22], s20  }
0x9f: {  	s3 =	ssub.s32 $0x0, s20;
	[sflag:s22] =	ssyncset.done $0x0  }
0xa0: {  	[sflag:s22] =	ssyncadd.s32 s3;
	_ =	sdelay $0x1  }
0xa1: {  	s23 =	simm.s32 $0x1B8B  }
0xa2: {  	_ =	swait.ge [sflag:s23], $0x1  }
0xa3: {  	[sflag:s23] =	ssyncset.done $0x0  }
0xa4: {  	s25 =	simm.s32 $0x1B8E;
	s24 =	sld [smem:$0x3FFE];
	[sflag:s23] =	ssyncadd.s32 $0xFFFFFFFF  }
0xa5: {  	s26 =	simm.s32 $execute0_lowered;
	[smem:$0x3FD2] =	sst s25  }
0xa6: {  	s4 =	sshll.u32 s26, $0x1;
	_ =	strace $0x8000004C;
	[dreg:$0x1] =	wrdreg $0xFFFFFFFF  }
0xa7: {  	s28 =	simm.s32 $_size_execute0_lowered;
	s2 =	sadd.s32 s2, s4;
	[dreg:$0x0] =	wrdreg $0x0  }
0xa8: {  	s4 =	sshll.u32 s28, $0x1;
	[dreg:$0x2] =	wrdreg s2  }
0xa9: {  	[dreg:$0x3] =	wrdreg s4  }
0xaa: {  	[dreg:$0x4] =	wrdreg $0xC0  }
0xab: {  	_ =	task [dreg:s6], $0x5FFFF  }
0xac: {  	[dreg:$0x1] =	wrdreg $0xFFFFFFFF  }
0xad: {  	[dreg:$0x0] =	wrdreg $0x60  }
0xae: {  	[dreg:$0x2] =	wrdreg s24  }
0xaf: {  	[dreg:$0x3] =	wrdreg $0x9  }
0xb0: {  	_ =	task.clear_ibuf [dreg:s6], $0x4FFFF;
	_ =	strace $0x9000004C  }
0xb1: {  	s29 =	simm.s32 $0x9;
	_ =	strace $0x8000004E  }
0xb2: {  	_ =	swait.ge [sflag:s29], $0x1  }
0xb3: {  	[sflag:s29] =	ssyncadd.s32 $0xFFFFFFFF  }
0xb4: {  	_ =	strace $0x9000004E  }
0xb5: {  	_ =	sfence  }
0xb6: {  	s30 =	sld [smem:$0x0];
	_ =	sdelay $0x2  }
0xb7: {  	s31 =	sshll.u32 s1, $0xD;
	s1 =	sshrl.u32 s1, $0x2  }
0xb8: {  	s3 =	sand.u32 $0x4000, s31;
	s1 =	sadd.s32 s1, s30  }
0xb9: {  	s0 =	sor.u32 s3, s0;
	s1 =	sshll.u32 s1, $0x11  }
0xba: {  	s0 =	sor.u32 s1, s0  }
0xbb: {  	s0 =	sadd.s32 $0x8F2B, s0  }
0xbc: {  	[sflag:s0] =	ssyncadd.remote.s32 $0x1  }
0xbd: {  	_ =	sfence.sel $0xFFFF  }
0xbe: {  	[dreg:$0x0] =	wrdreg $0xFFFFFFFF;
	(pc) =	sbr.abs _section_cstart, $3  }
0xbf: {  	[dreg:$0x1] =	wrdreg $0xFFFFFFFF  }
0xc0: {  	_ =	task.clear_ibuf [dreg:s6], $0x2FFFF;
	_ =	strace $0x9FFFFFFF  }
0xc1: {  	(tm) =	ssettm $0x7FFFFFFF  }
tec
execute0_lowered:
.L_overlay_start_1:
0x0: {  	(tag) =	ssettag $0x1  }
0x1: {  	s1 =	srdreg.scid  }
0x2: {  	s0 =	stileid.u32;
	s7 =	rddreg [dreg:$0x0];
	s2 =	simm.s32 $0x0  }
0x3: {  	s12 =	simm.s32 $0x100;
	s13 =	simm.s32 $0x1;
	s14 =	simm.s32 $0x180  }
0x4: {  	s15 =	simm.s32 $0x200;
	s16 =	simm.s32 $0x280;
	s3 =	smul.u32 $0x1B00, s0  }
0x5: {  	s6 =	sand.u32 $0x1, s1;
	s1 =	rddreg [dreg:$0x1];
	s8 =	smul.u32 $0x36000, s0  }
0x6: {  	s19 =	simm.s32 $0x0;
	[smem:$0x7FF] =	sst s2;
	s4 =	smul.u32 $0xD80, s6  }
0x7: {  	s11 =	sshrl.u32 s0, $0x3;
	s10 =	ssub.s32 $0x2, s6;
	s6 =	smul.u32 $0x1B000, s6  }
0x8: {  	s5 =	sadd.s32 $0xD0C00, s7;
	_ =	strace $0x8000004D;
	s17 =	smul.u32 $0x320000, s11  }
0x9: {  	s18 =	sshll.u32 s11, $0xB;
	s11 =	simm.s32 $0x80;
	s3 =	sadd.s32 s4, s3  }
0xa: {  	s31 =	sshrl.u32 s10, $0x1;
	v1 =	vmov s18;
	s18 =	simm.s32 $0x300;
	s3 =	sshrl.u32 s3, $0x3  }
0xb: {  	s4 =	sadd.s32 $0x5400, s7;
	v0 =	vmov s17;
	s17 =	simm.s32 $0x380;
	s9 =	sadd.s32 s3, s7  }
0xc: {  	s3 =	sadd.s32 $0x5200, s7;
	s7 =	sadd.s32 s8, s7;
	s8 =	ssub.s32 s10, s31  }
0xd: {  	s10 =	simm.s32 $0x2;
	s7 =	sadd.s32 s6, s7;
	s6 =	smax.u32 s8, $0x1  }
0xe: {  	v2 =	vimm.s32 $0x0;
	s8 =	sadd.s32 $0x450C00, s9;
	s9 =	sadd.s32 $0xCD600, s9;
	s7 =	sadd.s32 $0xF0C00, s7  }
.LBB2_1:
0xf: {  	s20 =	smov.u32 s7;
	s21 =	simm.s32 $0x0  }
.LBB2_2:
0x10: {  	s22 =	sadd.s32 s21, s9  }
0x11: {  	[tilespmem:s2], [sflag:$0x2] =	stream.linear.gather [hbm4b:s22+s2], $0x80, $0x38;
	[tilespmem:$0x8380] =	vst v63  }
0x12: {  	_ =	swait.ge [sflag:s10], $0x80  }
0x13: {  	[sflag:s10] =	ssyncset.done $0x0  }
0x14: {  	[sflag:s10] =	ssyncadd.s32 $0xFFFFFF80  }
0x15: {  	v3 =	vld [tilespmem:$0x0]  }
0x16: {  	v4 =	vld [tilespmem:$0x10]  }
0x17: {  	v5 =	vld [tilespmem:$0x20]  }
0x18: {  	v6 =	vld [tilespmem:$0x30]  }
0x19: {  	v7 =	vld [tilespmem:$0x40]  }
0x1a: {  	v8 =	vld [tilespmem:$0x50];
	vm0 =	vgt.s32 v3, $0x0  }
0x1b: {  	v9 =	vld [tilespmem:$0x60];
	vm6 =	vgt.s32 v4, $0x0;
	v3 =	vnsel vm0, $0x0, v3  }
0x1c: {  	v10 =	vld [tilespmem:$0x70];
	vm7 =	vgt.s32 v5, $0x0;
	v4 =	vnsel vm6, $0x0, v4;
	v3 =	vadd.s32 v0, v3  }
0x1d: {  	vm8 =	vgt.s32 v6, $0x0;
	v15 =	vnsel vm7, $0x0, v5;
	[tilespmem:$0x80] =	vst v3;
	v3 =	vadd.s32 v0, v4  }
0x1e: {  	vm9 =	vgt.s32 v7, $0x0;
	v16 =	vnsel vm8, $0x0, v6;
	[tilespmem:$0x90] =	vst v3;
	v3 =	vadd.s32 v0, v15  }
0x1f: {  	vm10 =	vgt.s32 v8, $0x0;
	v17 =	vnsel vm9, $0x0, v7;
	[tilespmem:$0xA0] =	vst v3;
	v3 =	vadd.s32 v0, v16  }
0x20: {  	vm11 =	vgt.s32 v9, $0x0;
	v18 =	vnsel vm10, $0x0, v8;
	[tilespmem:$0xB0] =	vst v3;
	v3 =	vadd.s32 v0, v17  }
0x21: {  	vm12 =	vgt.s32 v10, $0x0;
	v19 =	vnsel vm11, $0x0, v9;
	[tilespmem:$0xC0] =	vst v3;
	v3 =	vadd.s32 v0, v18  }
0x22: {  	v20 =	vnsel vm12, $0x0, v10;
	[tilespmem:$0xD0] =	vst v3;
	v3 =	vadd.s32 v0, v19  }
0x23: {  	[tilespmem:$0xE0] =	vst v3;
	v3 =	vadd.s32 v0, v20  }
0x24: {  	[tilespmem:$0xF0] =	vst v3  }
0x25: {  	[tilespmem:s12], [sflag:$0x1] =	stream.indirect.gather [hbm4b:s4+s11], $0x1, s11, s11, $0xb8;
	[tilespmem:$0x8380] =	vst v63  }
0x26: {  	_ =	swait.ge [sflag:s13], $0x80  }
0x27: {  	[sflag:s13] =	ssyncset.done $0x0  }
0x28: {  	[sflag:s13] =	ssyncadd.s32 $0xFFFFFF80  }
0x29: {  	v3 =	vld [tilespmem:$0x100]  }
0x2a: {  	v21 =	vld [tilespmem:$0x110]  }
0x2b: {  	v22 =	vld [tilespmem:$0x120]  }
0x2c: {  	v23 =	vld [tilespmem:$0x130]  }
0x2d: {  	v24 =	vld [tilespmem:$0x140]  }
0x2e: {  	v25 =	vld [tilespmem:$0x150]  }
0x2f: {  	v26 =	vld [tilespmem:$0x160]  }
0x30: {  	v27 =	vld [tilespmem:$0x170];
	_ =	sdelay $0x1  }
0x31: {  	vm13 =	vgt.s32 v3, $0x0;
	vm14 =	vgt.s32 v21, $0x0  }
0x32: {  	vm15 =	vgt.s32 v22, $0x0;
	vm4 =	vgt.s32 v23, $0x0;
	vm5 =	vgt.s32 v24, $0x0  }
0x33: {  	vm6 =	vgt.s32 v25, $0x0;
	vm7 =	vgt.s32 v26, $0x0;
	v3 =	vnsel vm13, $0x0, v3  }
0x34: {  	vm8 =	vgt.s32 v27, $0x0;
	v4 =	vnsel vm14, $0x0, v21;
	v3 =	vmin.u32 v3, $0x7FF  }
0x35: {  	v6 =	vnsel vm4, $0x0, v23;
	v4 =	vmin.u32 v4, $0x7FF;
	v3 =	vor.u32 v1, v3  }
0x36: {  	v5 =	vnsel vm15, $0x0, v22;
	v28 =	vmin.u32 v6, $0x7FF;
	v4 =	vor.u32 v1, v4;
	[tilespmem:$0x180] =	vst v3  }
0x37: {  	v29 =	vnsel vm5, $0x0, v24;
	v5 =	vmin.u32 v5, $0x7FF;
	v30 =	vor.u32 v1, v28;
	[tilespmem:$0x190] =	vst v4  }
0x38: {  	v32 =	vnsel vm6, $0x0, v25;
	v31 =	vmin.u32 v29, $0x7FF;
	v3 =	vor.u32 v1, v5;
	[tilespmem:$0x1B0] =	vst v30  }
0x39: {  	v34 =	vnsel vm7, $0x0, v26;
	v33 =	vmin.u32 v32, $0x7FF;
	[tilespmem:$0x1A0] =	vst v3;
	v3 =	vor.u32 v1, v31  }
0x3a: {  	v36 =	vnsel vm8, $0x0, v27;
	v35 =	vmin.u32 v34, $0x7FF;
	[tilespmem:$0x1C0] =	vst v3;
	v3 =	vor.u32 v1, v33  }
0x3b: {  	v37 =	vmin.u32 v36, $0x7FF;
	[tilespmem:$0x1D0] =	vst v3;
	v3 =	vor.u32 v1, v35  }
0x3c: {  	[tilespmem:$0x1E0] =	vst v3;
	v3 =	vor.u32 v1, v37  }
0x3d: {  	[tilespmem:$0x1F0] =	vst v3  }
0x3e: {  	[tilespmem:s15], [sflag:$0x1] =	stream.indirect.gather [hbm4b:s3+s11], $0x1, s14, s11, $0xb8;
	[tilespmem:$0x8380] =	vst v63  }
0x3f: {  	_ =	swait.ge [sflag:s13], $0x80  }
0x40: {  	[sflag:s13] =	ssyncset.done $0x0  }
0x41: {  	[sflag:s13] =	ssyncadd.s32 $0xFFFFFF80  }
0x42: {  	v3 =	vld [tilespmem:$0x0]  }
0x43: {  	v38 =	vld [tilespmem:$0x200]  }
0x44: {  	v39 =	vld [tilespmem:$0x180]  }
0x45: {  	v40 =	vld [tilespmem:$0x10]  }
0x46: {  	v41 =	vld [tilespmem:$0x210]  }
0x47: {  	v42 =	vld [tilespmem:$0x190]  }
0x48: {  	v43 =	vld [tilespmem:$0x20]  }
0x49: {  	v44 =	vld [tilespmem:$0x220]  }
0x4a: {  	v11 =	vld [tilespmem:$0x1A0]  }
0x4b: {  	v12 =	vld [tilespmem:$0x30]  }
0x4c: {  	v13 =	vld [tilespmem:$0x230]  }
0x4d: {  	v14 =	vld [tilespmem:$0x1B0]  }
0x4e: {  	v15 =	vld [tilespmem:$0x40]  }
0x4f: {  	v45 =	vld [tilespmem:$0x1C0];
	vm9 =	vgt.s32 v3, $0xFFFFFFFF;
	vm1 =	veq.s32 v38, v3  }
0x50: {  	v46 =	vld [tilespmem:$0x50];
	vm0 =	vmand vm9, vm1  }
0x51: {  	v48 =	vld [tilespmem:$0x250];
	vm10 =	vgt.s32 v40, $0xFFFFFFFF;
	vm2 =	veq.s32 v41, v40;
	v5 =	vsel vm0, v39, v1  }
0x52: {  	v50 =	vld [tilespmem:$0x1D0];
	vm11 =	vmand vm10, vm2;
	v47 =	vsel vm0, $0x1, v2;
	[tilespmem:$0x280] =	vst v5  }
0x53: {  	v3 =	vld [tilespmem:$0x240];
	vm12 =	vgt.s32 v43, $0xFFFFFFFF;
	vm13 =	veq.s32 v44, v43;
	v49 =	vsel vm11, v42, v1;
	[tilespmem:$0x300] =	vst v47  }
0x54: {  	v52 =	vld [tilespmem:$0x60];
	vm14 =	vmand vm12, vm13;
	v51 =	vsel vm11, $0x1, v2;
	[tilespmem:$0x290] =	vst v49  }
0x55: {  	v54 =	vld [tilespmem:$0x260];
	vm15 =	vgt.s32 v12, $0xFFFFFFFF;
	vm4 =	veq.s32 v13, v12;
	v53 =	vsel vm14, v11, v1;
	[tilespmem:$0x310] =	vst v51  }
0x56: {  	v56 =	vld [tilespmem:$0x1E0];
	vm5 =	vmand vm15, vm4;
	v55 =	vsel vm14, $0x1, v2;
	[tilespmem:$0x2A0] =	vst v53  }
0x57: {  	v59 =	vld [tilespmem:$0x270];
	vm9 =	veq.s32 v48, v46;
	vm10 =	vgt.s32 v46, $0xFFFFFFFF;
	v57 =	vsel vm5, v14, v1;
	[tilespmem:$0x320] =	vst v55  }
0x58: {  	v58 =	vsel vm5, $0x1, v2;
	vm11 =	vmand vm10, vm9;
	[tilespmem:$0x2B0] =	vst v57;
	vm7 =	veq.s32 v3, v15;
	v3 =	vld [tilespmem:$0x70]  }
0x59: {  	vm6 =	vgt.s32 v15, $0xFFFFFFFF;
	[tilespmem:$0x330] =	vst v58;
	v62 =	vsel vm11, v50, v1  }
0x5a: {  	v61 =	vld [tilespmem:$0x1F0];
	v63 =	vsel vm11, $0x1, v2;
	[tilespmem:$0x2D0] =	vst v62;
	vm8 =	vmand vm6, vm7  }
0x5b: {  	vm12 =	veq.s32 v54, v52;
	vm13 =	vgt.s32 v52, $0xFFFFFFFF;
	[tilespmem:$0x350] =	vst v63;
	v4 =	vsel vm8, v45, v1  }
0x5c: {  	vm1 =	vmand vm13, vm12;
	v60 =	vsel vm8, $0x1, v2;
	[tilespmem:$0x2C0] =	vst v4  }
0x5d: {  	[tilespmem:$0x340] =	vst v60;
	vm14 =	veq.s32 v59, v3;
	vm15 =	vgt.s32 v3, $0xFFFFFFFF;
	v3 =	vsel vm1, v56, v1  }
0x5e: {  	vm0 =	vmand vm15, vm14;
	[tilespmem:$0x2E0] =	vst v3;
	v3 =	vsel vm1, $0x1, v2  }
0x5f: {  	[tilespmem:$0x360] =	vst v3;
	v3 =	vsel vm0, v61, v1  }
0x60: {  	[tilespmem:$0x2F0] =	vst v3;
	v3 =	vsel vm0, $0x1, v2  }
0x61: {  	[tilespmem:$0x370] =	vst v3  }
0x62: {  	[tilespmem:s17], [sflag:$0x1] =	stream.indirect.gather [hbm4b:s5+s11], $0x100, s16, s11, $0xb8;
	[tilespmem:$0x8380] =	vst v63  }
0x63: {  	_ =	swait.ge [sflag:s13], $0x8000  }
0x64: {  	[sflag:s13] =	ssyncset.done $0x0  }
0x65: {  	[sflag:s13] =	ssyncadd.s32 $0xFFFF8000  }
0x66: {  	[hbm4b:s20+s2] =	stream.linear.scatter [tilespmem:s17], [sflag:$0x2], $0x8000, $0x38;
	[tilespmem:$0x8380] =	vst v63  }
0x67: {  	_ =	swait.ge [sflag:s10], $0x8000  }
0x68: {  	p0 =	sne.s32 s21, $0x1A0;
	[sflag:s10] =	ssyncset.done $0x0  }
.Ltmp0:
0x69: {  	s31 =	sadd.s32 s21, s8;
	[sflag:s10] =	ssyncadd.s32 $0xFFFF8000;
	(pc) =	sbr.rel @p0 .LBB2_2-.Ltmp0, $4  }
0x6a: {  	[hbm4b:s31+s2] =	stream.linear.scatter [tilespmem:s18], [sflag:$0x2], $0x80, $0x38;
	[tilespmem:$0x8380] =	vst v63  }
0x6b: {  	_ =	swait.ge [sflag:s10], $0x80  }
0x6c: {  	[sflag:s10] =	ssyncset.done $0x0  }
0x6d: {  	s21 =	sadd.s32 $0x10, s21;
	s20 =	sadd.s32 $0x1000, s20;
	[sflag:s10] =	ssyncadd.s32 $0xFFFFFF80  }
0x6e: {  	s19 =	sadd.s32 $0x1, s19  }
0x6f: {  	p0 =	sne.s32 s19, s6  }
.Ltmp1:
0x70: {  	_ = 	snop;
	(pc) =	sbr.rel @p0 .LBB2_1-.Ltmp1, $1  }
0x71: {  	_ =	sdelay $0x3  }
0x72: {  	_ =	sfence.sel $0x180000  }
0x73: {  	[bflag:$0x0] =	sbarrier.arrive $0xFFFF  }
0x74: {  	p0 =	sne.s32 s0, $0x0;
	_ =	strace $0x9000004D  }
0x75: {  	s0 =	sadd.s32 @!p0 $0x100000, s1;
	[bflag:$0x2] =	sbarrier.arrive $0xFFFF  }
0x76: {  	[sflag:s0] =	ssyncadd.tile.s32 @!p0 $0x1;
	_ =	shalt  }
.Lfunc_end2:
_tile_overlayer_lowered:
.L_overlay_start_2:
0x77: {  	(tag) =	ssettag $0x2  }
0x78: {  	s0 =	rddreg [dreg:$0x0];
	s2 =	stileid.u32  }
0x79: {  	s1 =	rddreg [dreg:$0x1];
	p0 =	sne.s32 s2, $0x0  }
0x7a: {  	s3 =	rddreg [dreg:$0x2];
	[bflag:$0x3] =	sbarrier.arrive $0xFFFF;
	s2 =	simm.s32 @!p0 $0x1C02  }
0x7b: {  	[timem:s3], [sflag:s2] =	dma.local @!p0 [hbm:s0], s1  }
0x7c: {  	s0 =	simm.s32 @!p0 $0x2  }
0x7d: {  	_ =	swait.ge @!p0 [sflag:s0], s1  }
0x7e: {  	s1 =	ssub.s32 @!p0 $0x0, s1;
	[sflag:s0] =	ssyncset.done @!p0 $0x0  }
0x7f: {  	[sflag:s0] =	ssyncadd.s32 @!p0 s1  }
0x80: {  	[bflag:$0x3] =	sbarrier.arrive $0xFFFF  }
0x81: {  	_ =	shalt  }

// kernel: kernel.9.cloned.1.call-start
scs
__scs_entry_jumppad:
0x0: {  	(pc) =	sbr.rel $0x88, $3  }
0x1: {  	(tag) =	ssettag $0x0;
	lr =	simm.s32 $0x1  }
0x2: {  	[smem:$0x3F8D] =	sst lr;
	_ =	strace $0xD0000000  }
0x3: {  	_ = 	snop  }
0x4: {  	_ = 	snop  }
0x5: {  	_ = 	snop  }
0x6: {  	_ = 	snop  }
0x7: {  	_ = 	snop  }
__scs_overlays_trampoline_lowered:
0x8: {  	[smem:$0x3F9C] =	sst s0  }
0x9: {  	[smem:$0x3F9D] =	sst s1  }
0xa: {  	[smem:$0x3F9E] =	sst s2  }
0xb: {  	[smem:$0x3F9F] =	sst s3  }
0xc: {  	[smem:$0x3FA0] =	sst s4  }
0xd: {  	[smem:$0x3FA1] =	sst s5  }
0xe: {  	[smem:$0x3FA2] =	sst s6  }
0xf: {  	[smem:$0x3FA3] =	sst s7  }
0x10: {  	[smem:$0x3FA4] =	sst s8  }
0x11: {  	[smem:$0x3FA5] =	sst s9;
	s0 =	simm.s32 @!p0 $0x0  }
0x12: {  	s1 =	sld [smem:$0x3F8B];
	s0 =	simm.s32 @p0 $0x1  }
0x13: {  	[smem:$0x3FA6] =	sst s0;
	s0 =	simm.s32 @!p1 $0x0  }
0x14: {  	s2 =	sld [smem:$0x3F8A];
	s0 =	simm.s32 @p1 $0x1  }
0x15: {  	[smem:$0x3FA7] =	sst s0;
	s0 =	simm.s32 @!p2 $0x0  }
0x16: {  	s3 =	sld [smem:$0x3FDB];
	s0 =	simm.s32 @p2 $0x1  }
0x17: {  	s4 =	simm.s32 $0x1BF5;
	[smem:$0x3FA9] =	sst s0  }
0x18: {  	s0 =	sld [smem:$0x3F8C];
	_ =	swait.ge [sflag:s4], $0x0  }
0x19: {  	s7 =	sld [smem:$0x3F8D]  }
0x1a: {  	s8 =	sadd.s32 $0xFFFFE003, lr  }
0x1b: {  	s9 =	sadd.s32 $0xFFFFFEF7, lr;
	s5 =	simm.s32 $0xFFFFFFFF;
	p2 =	slt.u32 s8, $0xFFFFF086  }
0x1c: {  	p1 =	slt.u32 s9, $0xF7A;
	s5 =	simm.s32 @!p2 $0x0  }
0x1d: {  	s5 =	simm.s32 @p1 $0x1;
	p0 =	seq.s32 s7, s2  }
0x1e: {  	s7 =	smul.u32 @!p0 $0xF7A, s2;
	p2 =	seq.s32 @!p0 s5, $0x0  }
0x1f: {  	s9 =	smul.u32 $0xF7A, s1;
	s8 =	simm.s32 @!p0 $0x1BF5;
	p2 =	por !p2, p0  }
0x20: {  	[sflag:s8] =	ssyncset.s32 @!p0 $0xFFFFF086;
	s6 =	sadd.s32 @!p0 s3, s7;
	s7 =	simm.s32 @!p0 $0x108  }
0x21: {  	s3 =	sadd.s32 s3, s9;
	s6 =	sadd.s32 @!p0 $0x88, s6;
	s7 =	simm.s32 @p2 $0x1082  }
0x22: {  	[simem:s7], [sflag:s8] =	dma.local @!p0 [hbm:s6], $0xF7A  }
0x23: {  	s9 =	sor.u32 $0xD0000000, s2;
	s6 =	simm.s32 $0x108;
	_ =	swait.ge @!p0 [sflag:s8], $0x0  }
0x24: {  	s3 =	sadd.s32 $0x88, s3;
	s6 =	simm.s32 @!p1 $0x1082;
	[sflag:s4] =	ssyncset.s32 $0xFFFFF086  }
0x25: {  	[simem:s6], [sflag:s4] =	dma.local [hbm:s3], $0xF7A  }
0x26: {  	[smem:$0x3F8D] =	sst s1;
	(tag) =	ssettag s2;
	_ =	strace s9  }
0x27: {  	s1 =	sld [smem:$0x3F9D]  }
0x28: {  	s2 =	sld [smem:$0x3F9E]  }
0x29: {  	s4 =	sld [smem:$0x3FA0]  }
0x2a: {  	p0 =	seq.s32 s5, $0x0;
	s5 =	sld [smem:$0x3FA1]  }
0x2b: {  	s6 =	sld [smem:$0x3FA2]  }
0x2c: {  	s7 =	sld [smem:$0x3FA3]  }
0x2d: {  	s3 =	simm.s32 $0x108;
	s8 =	sld [smem:$0x3FA4]  }
0x2e: {  	s3 =	simm.s32 @!p0 $0x1082;
	s9 =	sld [smem:$0x3FA5]  }
0x2f: {  	lr =	sadd.s32 s0, s3;
	s0 =	sld [smem:$0x3F9C]  }
0x30: {  	s3 =	sld [smem:$0x3F9F]  }
0x31: {  	[smem:$0x3FA8] =	sst s10  }
0x32: {  	s10 =	sld [smem:$0x3FA6];
	_ =	sdelay $0x3  }
0x33: {  	p0 =	seq.s32 s10, $0x1;
	s10 =	sld [smem:$0x3FA8];
	_ =	sdelay $0x3  }
0x34: {  	[smem:$0x3FA8] =	sst s10  }
0x35: {  	s10 =	sld [smem:$0x3FA7];
	_ =	sdelay $0x3  }
0x36: {  	p1 =	seq.s32 s10, $0x1;
	s10 =	sld [smem:$0x3FA8];
	_ =	sdelay $0x3  }
0x37: {  	[smem:$0x3FA8] =	sst s10  }
0x38: {  	s10 =	sld [smem:$0x3FA9]  }
0x39: {  	_ = 	snop;
	(pc) =	sbr.ind lr, $3  }
0x3a: {  	_ = 	snop  }
0x3b: {  	_ = 	snop  }
0x3c: {  	p2 =	seq.s32 s10, $0x1;
	s10 =	sld [smem:$0x3FA8]  }
0x3d: {  	_ =	shalt  }
0x3e: {  	_ =	shalt  }
0x3f: {  	_ =	shalt  }
0x40: {  	_ =	shalt  }
0x41: {  	_ =	shalt  }
0x42: {  	_ =	shalt  }
0x43: {  	_ =	shalt  }
0x44: {  	_ =	shalt  }
0x45: {  	_ =	shalt  }
0x46: {  	_ =	shalt  }
0x47: {  	_ =	shalt  }
0x48: {  	_ =	shalt  }
0x49: {  	_ =	shalt  }
0x4a: {  	_ =	shalt  }
0x4b: {  	_ =	shalt  }
0x4c: {  	_ =	shalt  }
0x4d: {  	_ =	shalt  }
0x4e: {  	_ =	shalt  }
0x4f: {  	_ =	shalt  }
0x50: {  	_ =	shalt  }
0x51: {  	_ =	shalt  }
0x52: {  	_ =	shalt  }
0x53: {  	_ =	shalt  }
0x54: {  	_ =	shalt  }
0x55: {  	_ =	shalt  }
0x56: {  	_ =	shalt  }
0x57: {  	_ =	shalt  }
0x58: {  	_ =	shalt  }
0x59: {  	_ =	shalt  }
0x5a: {  	_ =	shalt  }
0x5b: {  	_ =	shalt  }
0x5c: {  	_ =	shalt  }
0x5d: {  	_ =	shalt  }
0x5e: {  	_ =	shalt  }
0x5f: {  	_ =	shalt  }
0x60: {  	_ =	shalt  }
0x61: {  	_ =	shalt  }
0x62: {  	_ =	shalt  }
0x63: {  	_ =	shalt  }
0x64: {  	_ =	shalt  }
0x65: {  	_ =	shalt  }
0x66: {  	_ =	shalt  }
0x67: {  	_ =	shalt  }
0x68: {  	_ =	shalt  }
0x69: {  	_ =	shalt  }
0x6a: {  	_ =	shalt  }
0x6b: {  	_ =	shalt  }
0x6c: {  	_ =	shalt  }
0x6d: {  	_ =	shalt  }
0x6e: {  	_ =	shalt  }
0x6f: {  	_ =	shalt  }
0x70: {  	_ =	shalt  }
0x71: {  	_ =	shalt  }
0x72: {  	_ =	shalt  }
0x73: {  	_ =	shalt  }
0x74: {  	_ =	shalt  }
0x75: {  	_ =	shalt  }
0x76: {  	_ =	shalt  }
0x77: {  	_ =	shalt  }
0x78: {  	_ =	shalt  }
0x79: {  	_ =	shalt  }
0x7a: {  	_ =	shalt  }
0x7b: {  	_ =	shalt  }
0x7c: {  	_ =	shalt  }
0x7d: {  	_ =	shalt  }
0x7e: {  	_ =	shalt  }
0x7f: {  	_ =	shalt  }
0x80: {  	_ =	shalt  }
0x81: {  	_ =	shalt  }
0x82: {  	_ =	shalt  }
0x83: {  	_ =	shalt  }
0x84: {  	_ =	shalt  }
0x85: {  	_ =	shalt  }
0x86: {  	_ =	shalt  }
0x87: {  	_ =	shalt  }
.Lfunc_end0:
.L_simem_size_0:
called_computation_lowered:
.L_overlay_start_0:
0x88: {  	s2 =	sld [smem:$0x3FD9]  }
0x89: {  	s3 =	sld [smem:$0x3FFE];
	_ =	sdelay $0x1  }
0x8a: {  	s1 =	srdreg.scid  }
0x8b: {  	s0 =	sand.u32 $0x1, s1  }
0x8c: {  	s16 =	sshll.u32 s0, $0xA;
	s2 =	sadd.s32 s3, s2  }
0x8d: {  	s2 =	sadd.s32 s2, s16  }
0x8e: {  	[smem:$0x3FB4] =	sst s2  }
0x8f: {  	_ = 	snop  }
0x90: {  	(tm) =	ssettm $0x1  }
0x91: {  	s17 =	sld [smem:$0x3FFB];
	_ =	sdelay $0x3  }
0x92: {  	_ =	strace s17  }
0x93: {  	s2 =	sld [smem:$0x3FFC];
	_ =	sdelay $0x3  }
0x94: {  	_ =	strace s2  }
0x95: {  	s2 =	sld [smem:$0x3FFD];
	_ =	sdelay $0x3  }
0x96: {  	_ =	strace s2  }
0x97: {  	_ =	strace $0x8FFFFFFF  }
0x98: {  	s18 =	sld [smem:$0x3FDB];
	_ =	sdelay $0x1  }
0x99: {  	s19 =	simm.s32 $_scs_section_size  }
0x9a: {  	s4 =	simm.s32 $_size__tile_overlayer_lowered;
	s5 =	simm.s32 $_tile_overlayer_lowered  }
0x9b: {  	s22 =	simm.s32 $0x1BFF;
	s21 =	sshll.u32 s5, $0x1;
	s2 =	sadd.s32 s19, s18  }
0x9c: {  	s6 =	simm.s32 $0x0;
	s20 =	sshll.u32 s4, $0x1;
	s4 =	sadd.s32 s21, s2  }
0x9d: {  	[timem:s6], [sflag:s22] =	dma.local [hbm:s4], s20  }
0x9e: {  	_ =	swait.ge [sflag:s22], s20  }
0x9f: {  	s3 =	ssub.s32 $0x0, s20;
	[sflag:s22] =	ssyncset.done $0x0  }
0xa0: {  	[sflag:s22] =	ssyncadd.s32 s3;
	_ =	sdelay $0x1  }
0xa1: {  	s23 =	simm.s32 $0x1B8B  }
0xa2: {  	_ =	swait.ge [sflag:s23], $0x1  }
0xa3: {  	[sflag:s23] =	ssyncset.done $0x0  }
0xa4: {  	s25 =	simm.s32 $0x1B8E;
	s24 =	sld [smem:$0x3FFE];
	[sflag:s23] =	ssyncadd.s32 $0xFFFFFFFF  }
0xa5: {  	s26 =	simm.s32 $execute0_lowered;
	[smem:$0x3FD2] =	sst s25  }
0xa6: {  	s4 =	sshll.u32 s26, $0x1;
	_ =	strace $0x80000046;
	[dreg:$0x1] =	wrdreg $0xFFFFFFFF  }
0xa7: {  	s28 =	simm.s32 $_size_execute0_lowered;
	s2 =	sadd.s32 s2, s4;
	[dreg:$0x0] =	wrdreg $0x0  }
0xa8: {  	s4 =	sshll.u32 s28, $0x1;
	[dreg:$0x2] =	wrdreg s2  }
0xa9: {  	[dreg:$0x3] =	wrdreg s4  }
0xaa: {  	[dreg:$0x4] =	wrdreg $0xC0  }
0xab: {  	_ =	task [dreg:s6], $0x5FFFF  }
0xac: {  	[dreg:$0x1] =	wrdreg $0xFFFFFFFF  }
0xad: {  	[dreg:$0x0] =	wrdreg $0x60  }
0xae: {  	[dreg:$0x2] =	wrdreg s24  }
0xaf: {  	[dreg:$0x3] =	wrdreg $0x9  }
0xb0: {  	_ =	task.clear_ibuf [dreg:s6], $0x4FFFF;
	_ =	strace $0x90000046  }
0xb1: {  	s29 =	simm.s32 $0x9;
	_ =	strace $0x80000048  }
0xb2: {  	_ =	swait.ge [sflag:s29], $0x1  }
0xb3: {  	[sflag:s29] =	ssyncadd.s32 $0xFFFFFFFF  }
0xb4: {  	_ =	strace $0x90000048  }
0xb5: {  	_ =	sfence  }
0xb6: {  	s30 =	sld [smem:$0x0];
	_ =	sdelay $0x2  }
0xb7: {  	s31 =	sshll.u32 s1, $0xD;
	s1 =	sshrl.u32 s1, $0x2  }
0xb8: {  	s3 =	sand.u32 $0x4000, s31;
	s1 =	sadd.s32 s1, s30  }
0xb9: {  	s0 =	sor.u32 s3, s0;
	s1 =	sshll.u32 s1, $0x11  }
0xba: {  	s0 =	sor.u32 s1, s0  }
0xbb: {  	s0 =	sadd.s32 $0x8F2B, s0  }
0xbc: {  	[sflag:s0] =	ssyncadd.remote.s32 $0x1  }
0xbd: {  	_ =	sfence.sel $0xFFFF  }
0xbe: {  	[dreg:$0x0] =	wrdreg $0xFFFFFFFF;
	(pc) =	sbr.abs _section_cstart, $3  }
0xbf: {  	[dreg:$0x1] =	wrdreg $0xFFFFFFFF  }
0xc0: {  	_ =	task.clear_ibuf [dreg:s6], $0x2FFFF;
	_ =	strace $0x9FFFFFFF  }
0xc1: {  	(tm) =	ssettm $0x7FFFFFFF  }
tec
execute0_lowered:
.L_overlay_start_1:
0x0: {  	(tag) =	ssettag $0x1  }
0x1: {  	s1 =	srdreg.scid;
	s0 =	stileid.u32  }
0x2: {  	s4 =	rddreg [dreg:$0x0];
	s2 =	simm.s32 $0x0;
	s9 =	simm.s32 $0x1  }
0x3: {  	s10 =	simm.s32 $0x0;
	s3 =	sand.u32 $0x1, s1;
	s1 =	rddreg [dreg:$0x1]  }
0x4: {  	s5 =	sshll.u32 s0, $0x8;
	[smem:$0x7FF] =	sst s2;
	s8 =	sshrl.u32 s0, $0x3  }
0x5: {  	s6 =	sshll.u32 s3, $0x7;
	_ =	strace $0x80000047;
	s7 =	ssub.s32 $0x2, s3  }
0x6: {  	s8 =	smul.u32 $0x320000, s8;
	s6 =	sor.u32 s6, s5;
	s31 =	sshrl.u32 s7, $0x1  }
0x7: {  	s3 =	sadd.s32 $0x5400, s4;
	s5 =	sshrl.u32 s6, $0x3;
	s7 =	ssub.s32 s7, s31  }
0x8: {  	s6 =	sand.u32 $0x780, s6;
	v0 =	vmov s8;
	s8 =	simm.s32 $0x80;
	s5 =	sadd.s32 s5, s4  }
0x9: {  	v1 =	vlaneseq.u32;
	s4 =	sadd.s32 $0x5200, s5;
	s5 =	smax.u32 s7, $0x1;
	s7 =	simm.s32 $0x2  }
.LBB2_1:
0xa: {  	[tilespmem:s2], [sflag:$0x2] =	stream.linear.gather [hbm4b:s4+s2], $0x80, $0x38;
	[tilespmem:$0x100] =	vst v63  }
0xb: {  	_ =	swait.ge [sflag:s7], $0x80  }
0xc: {  	s11 =	simm.s32 $0x0;
	[sflag:s7] =	ssyncset.done $0x0  }
0xd: {  	v2 =	vor.u32 s6, v1;
	s12 =	simm.s32 $0x40;
	s13 =	smov.u32 s6;
	[sflag:s7] =	ssyncadd.s32 $0xFFFFFF80  }
.LBB2_2:
0xe: {  	p0 =	sne.s32 s12, $0x1C0;
	v3 =	vld [tilespmem:s11+$0x0];
	[tilespmem:s11+$0x80] =	vst v2;
	_ =	sdelay $0x1  }
.Ltmp0:
0xf: {  	(pc) =	sbr.rel @p0 .LBB2_2-.Ltmp0, $3  }
0x10: {  	_ =	sdelay $0x1  }
0x11: {  	s13 =	sadd.s32 $0x10, s13;
	v3 =	vadd.s32 v0, v3  }
0x12: {  	v2 =	vor.u32 s13, v1;
	[tilespmem:s11+$0x0] =	vst v3;
	s11 =	sshra.s32 s12, $0x2;
	s12 =	sadd.s32 $0x40, s12  }
0x13: {  	v3 =	vld [tilespmem:s11+$0x0];
	_ =	sdelay $0x3  }
0x14: {  	s10 =	sadd.s32 $0x1, s10  }
0x15: {  	[tilespmem:s11+$0x80] =	vst v2;
	p0 =	sne.s32 s10, s5;
	v2 =	vadd.s32 v0, v3  }
.Ltmp1:
0x16: {  	[tilespmem:s11+$0x0] =	vst v2;
	(pc) =	sbr.rel @p0 .LBB2_1-.Ltmp1, $4  }
0x17: {  	[hbm4b:s3+s8] =	stream.indirect.scatter [tilespmem:s8], [sflag:$0x1], $0x1, s2, s8, $0xb8;
	[tilespmem:$0x100] =	vst v63  }
0x18: {  	_ =	swait.ge [sflag:s9], $0x80  }
0x19: {  	[sflag:s9] =	ssyncset.done $0x0  }
0x1a: {  	[sflag:s9] =	ssyncadd.s32 $0xFFFFFF80  }
0x1b: {  	_ =	sfence.sel $0x180000  }
0x1c: {  	[bflag:$0x0] =	sbarrier.arrive $0xFFFF  }
0x1d: {  	p0 =	sne.s32 s0, $0x0;
	_ =	strace $0x90000047  }
0x1e: {  	s0 =	sadd.s32 @!p0 $0x100000, s1;
	[bflag:$0x2] =	sbarrier.arrive $0xFFFF  }
0x1f: {  	[sflag:s0] =	ssyncadd.tile.s32 @!p0 $0x1;
	_ =	shalt  }
.Lfunc_end2:
_tile_overlayer_lowered:
.L_overlay_start_2:
0x20: {  	(tag) =	ssettag $0x2  }
0x21: {  	s0 =	rddreg [dreg:$0x0];
	s2 =	stileid.u32  }
0x22: {  	s1 =	rddreg [dreg:$0x1];
	p0 =	sne.s32 s2, $0x0  }
0x23: {  	s3 =	rddreg [dreg:$0x2];
	[bflag:$0x3] =	sbarrier.arrive $0xFFFF;
	s2 =	simm.s32 @!p0 $0x1C02  }
0x24: {  	[timem:s3], [sflag:s2] =	dma.local @!p0 [hbm:s0], s1  }
0x25: {  	s0 =	simm.s32 @!p0 $0x2  }
0x26: {  	_ =	swait.ge @!p0 [sflag:s0], s1  }
0x27: {  	s1 =	ssub.s32 @!p0 $0x0, s1;
	[sflag:s0] =	ssyncset.done @!p0 $0x0  }
0x28: {  	[sflag:s0] =	ssyncadd.s32 @!p0 s1  }
0x29: {  	[bflag:$0x3] =	sbarrier.arrive $0xFFFF  }
0x2a: {  	_ =	shalt  }

</sc_bundles>
